<compile_context>
chip_gen: v7x
topology: tpu7x:2x2x1
jax: 0.10.2.dev20260603
libtpu: 0.0.44.dev20260713+nightly
codegen_flags: <defaults>
</compile_context>

<pallas_src>
import jax
import jax.numpy as jnp
from jax import lax
from jax.experimental import pallas as pl
from jax.experimental.pallas import tpu as pltpu
from jax.experimental.pallas import tpu_sc as plsc

BATCH = 4096
SEQ = 200
EMB = 32
NTAB = 1000000
NC = 2
NS = 16
NW = NC * NS
ROWS = BATCH * SEQ
RPW = ROWS // NW
CHUNK = 128
NCH = RPW // CHUNK
NBUF = 4


def _sc_gather_body(t0, t1, idx0, idx1, out, idx0_v, idx1_v,
                    b0, b1, b2, b3, g0, g1, g2, g3, w0, w1, w2, w3):
    bufs = (b0, b1, b2, b3)
    gsems = (g0, g1, g2, g3)
    wsems = (w0, w1, w2, w3)
    c = lax.axis_index("c")
    s = lax.axis_index("s")
    wid = s * NC + c
    base = wid * RPW
    pltpu.sync_copy(idx0.at[wid], idx0_v)
    pltpu.sync_copy(idx1.at[wid], idx1_v)

    def field(idx_v, table, col):
        def start_gather(b, j):
            pltpu.async_copy(table.at[idx_v.at[j]], bufs[b], gsems[b])

        def wait_gather(b):
            pltpu.make_async_copy(table.at[idx_v.at[0]], bufs[b], gsems[b]).wait()

        def start_write(b, j):
            pltpu.async_copy(
                bufs[b].at[pl.ds(0, CHUNK), pl.ds(0, EMB)],
                out.at[pl.ds(base + j * CHUNK, CHUNK), pl.ds(col, EMB)],
                wsems[b])

        def wait_write(b):
            pltpu.make_async_copy(
                bufs[b].at[pl.ds(0, CHUNK), pl.ds(0, EMB)],
                out.at[pl.ds(base, CHUNK), pl.ds(col, EMB)],
                wsems[b]).wait()

        for b in range(NBUF):
            start_gather(b, b)

        def outer(jo, carry):
            for b in range(NBUF):
                j = jo * NBUF + b
                wait_gather(b)
                start_write(b, j)
            for b in range(NBUF):
                j = jo * NBUF + b
                wait_write(b)
                start_gather(b, j + NBUF)
            return carry

        lax.fori_loop(0, NCH // NBUF - 1, outer, 0)
        for b in range(NBUF):
            j = NCH - NBUF + b
            wait_gather(b)
            start_write(b, j)
        for b in range(NBUF):
            wait_write(b)

    field(idx0_v, t0, 0)
    field(idx1_v, t1, EMB)


_sc_gather = pl.kernel(
    _sc_gather_body,
    out_type=jax.ShapeDtypeStruct((ROWS, 128), jnp.float32),
    mesh=plsc.VectorSubcoreMesh(core_axis_name="c", subcore_axis_name="s"),
    scratch_types=(
        [pltpu.VMEM((NCH, CHUNK), jnp.int32)] * 2
        + [pltpu.VMEM((CHUNK, 128), jnp.float32)] * NBUF
        + [pltpu.SemaphoreType.DMA] * (2 * NBUF)
    ),
    compiler_params=pltpu.CompilerParams(use_tc_tiling_on_sc=False),
)

_TW_V = 4096
_EYE = None


def _twiden_body(x0_ref, x1_ref, o0_ref, o1_ref):
    eye = jax.lax.broadcasted_iota(jnp.int32, (EMB, 128), 0) ==         jax.lax.broadcasted_iota(jnp.int32, (EMB, 128), 1)
    eyef = eye.astype(jnp.float32)
    for x_ref, o_ref in ((x0_ref, o0_ref), (x1_ref, o1_ref)):
        o_ref[...] = jax.lax.dot_general(
            x_ref[...], eyef, (((0,), (0,)), ((), ())),
            preferred_element_type=jnp.float32)


_twiden = pl.pallas_call(
    _twiden_body,
    grid=(-(-NTAB // _TW_V),),
    in_specs=[
        pl.BlockSpec((EMB, _TW_V), lambda g: (0, g)),
        pl.BlockSpec((EMB, _TW_V), lambda g: (0, g)),
    ],
    out_specs=[
        pl.BlockSpec((_TW_V, 128), lambda g: (g, 0)),
        pl.BlockSpec((_TW_V, 128), lambda g: (g, 0)),
    ],
    out_shape=[
        jax.ShapeDtypeStruct((NTAB, 128), jnp.float32),
        jax.ShapeDtypeStruct((NTAB, 128), jnp.float32),
    ],
)


def _mask_body(h_ref, m_ref):
    m_ref[...] = h_ref[...] != 0


_mask_call = pl.pallas_call(
    _mask_body,
    out_shape=jax.ShapeDtypeStruct((SEQ, BATCH), jnp.bool_),
)


def kernel(histories, table0, table1):
    t0w, t1w = _twiden(table0.T, table1.T)
    idx = histories.transpose(1, 0, 2).reshape(2, NW, NCH, CHUNK)
    wide = _sc_gather(t0w, t1w, idx[0], idx[1])
    embs = wide.reshape(BATCH, SEQ, 128)[:, :, :2 * EMB]
    ht = histories.transpose(1, 2, 0)
    mask = _mask_call(ht[0]).T
    return embs, mask

# --- scband reference (transcript-rebuilt; emitter-appended) ---
"""Pipeline reference for scband-base-19009525252329 (READ-ONLY COPY).

The authoritative reference and input builder live on the scoring server;
editing this copy changes nothing except your own understanding.
"""

import jax, jax.numpy as jnp
import numpy as np

BATCH = 4096
NFIELDS = 2
SEQ_LEN = 200
NUM_ITEMS = 1000000
EMB_DIM = 32


def setup_inputs(seed: int = 0) -> dict:
    key = jax.random.key(seed)
    k1, k2, k3 = jax.random.split(key, 3)
    histories = jax.random.randint(k1, (BATCH, NFIELDS, SEQ_LEN), 0, NUM_ITEMS, dtype=jnp.int32)
    # learned item embedding tables, one per item feature field
    table0 = jax.random.normal(k2, (NUM_ITEMS, EMB_DIM), dtype=jnp.float32) * 0.01
    table1 = jax.random.normal(k3, (NUM_ITEMS, EMB_DIM), dtype=jnp.float32) * 0.01
    return {"histories": histories, "table0": table0, "table1": table1}


def reference(histories, table0, table1):
    # Faithful translation of Base.pooling_history(histories)
    # histories: int[B, nfields, L]
    mask = histories[:, 0, :] != 0
    emb0 = jnp.take(table0, histories[:, 0, :], axis=0)  # [B, L, D]
    emb1 = jnp.take(table1, histories[:, 1, :], axis=0)  # [B, L, D]
    histories_embs = jnp.concatenate([emb0, emb1], axis=-1)  # [B, L, nfields*D]
    return histories_embs, mask

if __name__ == "__main__":
    import jax
    _d = setup_inputs()
    print(jax.jit(kernel)(*tuple(_d.values())))

</pallas_src>

<mosaic_0001>
#map = affine_map<(d0, d1) -> (0, 0)>
#map1 = affine_map<(d0, d1) -> (0, 0, 0)>
module attributes {stable_mosaic.version = 14 : i64} {
  func.func @_sc_gather_body(%arg0: i32, %arg1: i32, %arg2: memref<1000000x128xf32, #tpu.memory_space<hbm>>, %arg3: memref<1000000x128xf32, #tpu.memory_space<hbm>>, %arg4: memref<32x200x128xi32, #tpu.memory_space<hbm>>, %arg5: memref<32x200x128xi32, #tpu.memory_space<hbm>>, %arg6: memref<819200x128xf32, #tpu.memory_space<hbm>>, %arg7: memref<200x128xi32, #tpu.memory_space<vmem>>, %arg8: memref<200x128xi32, #tpu.memory_space<vmem>>, %arg9: memref<128x128xf32, #tpu.memory_space<vmem>>, %arg10: memref<128x128xf32, #tpu.memory_space<vmem>>, %arg11: memref<128x128xf32, #tpu.memory_space<vmem>>, %arg12: memref<128x128xf32, #tpu.memory_space<vmem>>, %arg13: memref<!tpu.dma_semaphore, #tpu.memory_space<semaphore_mem>>, %arg14: memref<!tpu.dma_semaphore, #tpu.memory_space<semaphore_mem>>, %arg15: memref<!tpu.dma_semaphore, #tpu.memory_space<semaphore_mem>>, %arg16: memref<!tpu.dma_semaphore, #tpu.memory_space<semaphore_mem>>, %arg17: memref<!tpu.dma_semaphore, #tpu.memory_space<semaphore_mem>>, %arg18: memref<!tpu.dma_semaphore, #tpu.memory_space<semaphore_mem>>, %arg19: memref<!tpu.dma_semaphore, #tpu.memory_space<semaphore_mem>>, %arg20: memref<!tpu.dma_semaphore, #tpu.memory_space<semaphore_mem>>) attributes {dimension_semantics = [#tpu.dimension_semantics<core_parallel>, #tpu.dimension_semantics<subcore_parallel>], iteration_bounds = array<i64: 2, 16>, scalar_prefetch = 0 : i64, scratch_operands = 14 : i64, tpu.core_type = #tpu.core_type<sc_vector_subcore>, window_params = [{transform_indices = #map}, {transform_indices = #map}, {transform_indices = #map1}, {transform_indices = #map1}, {transform_indices = #map}]} {
    %mul3A = arith.constant 2 : i32
    %mul3A_0 = arith.muli %arg1, %mul3A : i32
    %add3A = arith.addi %mul3A_0, %arg0 : i32
    %mul3A_1 = arith.constant 25600 : i32
    %mul3A_2 = arith.muli %add3A, %mul3A_1 : i32
    "tpu.region"() ({
      %run_scoped3A = tpu.sem_alloc : memref<!tpu.dma_semaphore, #tpu.memory_space<semaphore_mem>>
      %dma_start3A_300 = arith.constant 0 : i32
      %dma_start3A_301 = arith.constant 0 : i32
      %dma_start3A_302 = tpu.memref_slice %arg4[%add3A, %dma_start3A_300, %dma_start3A_301] : memref<32x200x128xi32, #tpu.memory_space<hbm>> -> memref<1x200x128xi32, #tpu.memory_space<hbm>>
      %dma_start3A_303 = tpu.memref_squeeze %dma_start3A_302 : memref<1x200x128xi32, #tpu.memory_space<hbm>> -> memref<200x128xi32, #tpu.memory_space<hbm>>
      %dma_start3A_304 = arith.constant 0 : i32
      %dma_start3A_305 = arith.constant 0 : i32
      %dma_start3A_306 = tpu.memref_slice %arg4[%add3A, %dma_start3A_304, %dma_start3A_305] : memref<32x200x128xi32, #tpu.memory_space<hbm>> -> memref<1x200x128xi32, #tpu.memory_space<hbm>>
      %dma_start3A_307 = tpu.memref_squeeze %dma_start3A_306 : memref<1x200x128xi32, #tpu.memory_space<hbm>> -> memref<200x128xi32, #tpu.memory_space<hbm>>
      tpu.enqueue_dma source(%dma_start3A_307 : memref<200x128xi32, #tpu.memory_space<hbm>>) target(%arg7 : memref<200x128xi32, #tpu.memory_space<vmem>>) target_semaphore(%run_scoped3A : memref<!tpu.dma_semaphore, #tpu.memory_space<semaphore_mem>>)
      %dma_wait3A_308 = arith.constant 0 : i32
      %dma_wait3A_309 = arith.constant 0 : i32
      %dma_wait3A_310 = tpu.memref_slice %arg4[%add3A, %dma_wait3A_308, %dma_wait3A_309] : memref<32x200x128xi32, #tpu.memory_space<hbm>> -> memref<1x200x128xi32, #tpu.memory_space<hbm>>
      %dma_wait3A_311 = tpu.memref_squeeze %dma_wait3A_310 : memref<1x200x128xi32, #tpu.memory_space<hbm>> -> memref<200x128xi32, #tpu.memory_space<hbm>>
      %dma_wait3A_312 = arith.constant 0 : i32
      %dma_wait3A_313 = arith.constant 0 : i32
      %dma_wait3A_314 = tpu.memref_slice %arg4[%add3A, %dma_wait3A_312, %dma_wait3A_313] : memref<32x200x128xi32, #tpu.memory_space<hbm>> -> memref<1x200x128xi32, #tpu.memory_space<hbm>>
      %dma_wait3A_315 = tpu.memref_squeeze %dma_wait3A_314 : memref<1x200x128xi32, #tpu.memory_space<hbm>> -> memref<200x128xi32, #tpu.memory_space<hbm>>
      tpu.wait_dma2 semaphore(%run_scoped3A : memref<!tpu.dma_semaphore, #tpu.memory_space<semaphore_mem>>) src(%dma_wait3A_315 : memref<200x128xi32, #tpu.memory_space<hbm>>) dst(%arg7 : memref<200x128xi32, #tpu.memory_space<vmem>>)
      tpu.yield
    }) : () -> ()
    "tpu.region"() ({
      %run_scoped3A = tpu.sem_alloc : memref<!tpu.dma_semaphore, #tpu.memory_space<semaphore_mem>>
      %dma_start3A_300 = arith.constant 0 : i32
      %dma_start3A_301 = arith.constant 0 : i32
      %dma_start3A_302 = tpu.memref_slice %arg5[%add3A, %dma_start3A_300, %dma_start3A_301] : memref<32x200x128xi32, #tpu.memory_space<hbm>> -> memref<1x200x128xi32, #tpu.memory_space<hbm>>
      %dma_start3A_303 = tpu.memref_squeeze %dma_start3A_302 : memref<1x200x128xi32, #tpu.memory_space<hbm>> -> memref<200x128xi32, #tpu.memory_space<hbm>>
      %dma_start3A_304 = arith.constant 0 : i32
      %dma_start3A_305 = arith.constant 0 : i32
      %dma_start3A_306 = tpu.memref_slice %arg5[%add3A, %dma_start3A_304, %dma_start3A_305] : memref<32x200x128xi32, #tpu.memory_space<hbm>> -> memref<1x200x128xi32, #tpu.memory_space<hbm>>
      %dma_start3A_307 = tpu.memref_squeeze %dma_start3A_306 : memref<1x200x128xi32, #tpu.memory_space<hbm>> -> memref<200x128xi32, #tpu.memory_space<hbm>>
      tpu.enqueue_dma source(%dma_start3A_307 : memref<200x128xi32, #tpu.memory_space<hbm>>) target(%arg8 : memref<200x128xi32, #tpu.memory_space<vmem>>) target_semaphore(%run_scoped3A : memref<!tpu.dma_semaphore, #tpu.memory_space<semaphore_mem>>)
      %dma_wait3A_308 = arith.constant 0 : i32
      %dma_wait3A_309 = arith.constant 0 : i32
      %dma_wait3A_310 = tpu.memref_slice %arg5[%add3A, %dma_wait3A_308, %dma_wait3A_309] : memref<32x200x128xi32, #tpu.memory_space<hbm>> -> memref<1x200x128xi32, #tpu.memory_space<hbm>>
      %dma_wait3A_311 = tpu.memref_squeeze %dma_wait3A_310 : memref<1x200x128xi32, #tpu.memory_space<hbm>> -> memref<200x128xi32, #tpu.memory_space<hbm>>
      %dma_wait3A_312 = arith.constant 0 : i32
      %dma_wait3A_313 = arith.constant 0 : i32
      %dma_wait3A_314 = tpu.memref_slice %arg5[%add3A, %dma_wait3A_312, %dma_wait3A_313] : memref<32x200x128xi32, #tpu.memory_space<hbm>> -> memref<1x200x128xi32, #tpu.memory_space<hbm>>
      %dma_wait3A_315 = tpu.memref_squeeze %dma_wait3A_314 : memref<1x200x128xi32, #tpu.memory_space<hbm>> -> memref<200x128xi32, #tpu.memory_space<hbm>>
      tpu.wait_dma2 semaphore(%run_scoped3A : memref<!tpu.dma_semaphore, #tpu.memory_space<semaphore_mem>>) src(%dma_wait3A_315 : memref<200x128xi32, #tpu.memory_space<hbm>>) dst(%arg8 : memref<200x128xi32, #tpu.memory_space<vmem>>)
      tpu.yield
    }) : () -> ()
    %dma_start3A = arith.constant 0 : i32
    %dma_start3A_3 = arith.constant 0 : i32
    %dma_start3A_4 = tpu.memref_slice %arg7[%dma_start3A, %dma_start3A_3] : memref<200x128xi32, #tpu.memory_space<vmem>> -> memref<1x128xi32, #tpu.memory_space<vmem>>
    %dma_start3A_5 = tpu.memref_squeeze %dma_start3A_4 : memref<1x128xi32, #tpu.memory_space<vmem>> -> memref<128xi32, #tpu.memory_space<vmem>>
    %dma_start3A_6 = arith.constant 0 : i32
    %dma_start3A_7 = arith.constant 0 : i32
    %dma_start3A_8 = tpu.memref_slice %arg2[%dma_start3A_6, %dma_start3A_7] : memref<1000000x128xf32, #tpu.memory_space<hbm>> -> memref<1000000x128xf32, #tpu.memory_space<hbm>>
    tpu.enqueue_indirect_dma source(%dma_start3A_8 : memref<1000000x128xf32, #tpu.memory_space<hbm>>) target(%arg9 : memref<128x128xf32, #tpu.memory_space<vmem>>) offsets(%dma_start3A_5 : memref<128xi32, #tpu.memory_space<vmem>>) semaphore(%arg13 : memref<!tpu.dma_semaphore, #tpu.memory_space<semaphore_mem>>)
    %dma_start3A_9 = arith.constant 1 : i32
    %dma_start3A_10 = arith.constant 0 : i32
    %dma_start3A_11 = tpu.memref_slice %arg7[%dma_start3A_9, %dma_start3A_10] : memref<200x128xi32, #tpu.memory_space<vmem>> -> memref<1x128xi32, #tpu.memory_space<vmem>>
    %dma_start3A_12 = tpu.memref_squeeze %dma_start3A_11 : memref<1x128xi32, #tpu.memory_space<vmem>> -> memref<128xi32, #tpu.memory_space<vmem>>
    %dma_start3A_13 = arith.constant 0 : i32
    %dma_start3A_14 = arith.constant 0 : i32
    %dma_start3A_15 = tpu.memref_slice %arg2[%dma_start3A_13, %dma_start3A_14] : memref<1000000x128xf32, #tpu.memory_space<hbm>> -> memref<1000000x128xf32, #tpu.memory_space<hbm>>
    tpu.enqueue_indirect_dma source(%dma_start3A_15 : memref<1000000x128xf32, #tpu.memory_space<hbm>>) target(%arg10 : memref<128x128xf32, #tpu.memory_space<vmem>>) offsets(%dma_start3A_12 : memref<128xi32, #tpu.memory_space<vmem>>) semaphore(%arg14 : memref<!tpu.dma_semaphore, #tpu.memory_space<semaphore_mem>>)
    %dma_start3A_16 = arith.constant 2 : i32
    %dma_start3A_17 = arith.constant 0 : i32
    %dma_start3A_18 = tpu.memref_slice %arg7[%dma_start3A_16, %dma_start3A_17] : memref<200x128xi32, #tpu.memory_space<vmem>> -> memref<1x128xi32, #tpu.memory_space<vmem>>
    %dma_start3A_19 = tpu.memref_squeeze %dma_start3A_18 : memref<1x128xi32, #tpu.memory_space<vmem>> -> memref<128xi32, #tpu.memory_space<vmem>>
    %dma_start3A_20 = arith.constant 0 : i32
    %dma_start3A_21 = arith.constant 0 : i32
    %dma_start3A_22 = tpu.memref_slice %arg2[%dma_start3A_20, %dma_start3A_21] : memref<1000000x128xf32, #tpu.memory_space<hbm>> -> memref<1000000x128xf32, #tpu.memory_space<hbm>>
    tpu.enqueue_indirect_dma source(%dma_start3A_22 : memref<1000000x128xf32, #tpu.memory_space<hbm>>) target(%arg11 : memref<128x128xf32, #tpu.memory_space<vmem>>) offsets(%dma_start3A_19 : memref<128xi32, #tpu.memory_space<vmem>>) semaphore(%arg15 : memref<!tpu.dma_semaphore, #tpu.memory_space<semaphore_mem>>)
    %dma_start3A_23 = arith.constant 3 : i32
    %dma_start3A_24 = arith.constant 0 : i32
    %dma_start3A_25 = tpu.memref_slice %arg7[%dma_start3A_23, %dma_start3A_24] : memref<200x128xi32, #tpu.memory_space<vmem>> -> memref<1x128xi32, #tpu.memory_space<vmem>>
    %dma_start3A_26 = tpu.memref_squeeze %dma_start3A_25 : memref<1x128xi32, #tpu.memory_space<vmem>> -> memref<128xi32, #tpu.memory_space<vmem>>
    %dma_start3A_27 = arith.constant 0 : i32
    %dma_start3A_28 = arith.constant 0 : i32
    %dma_start3A_29 = tpu.memref_slice %arg2[%dma_start3A_27, %dma_start3A_28] : memref<1000000x128xf32, #tpu.memory_space<hbm>> -> memref<1000000x128xf32, #tpu.memory_space<hbm>>
    tpu.enqueue_indirect_dma source(%dma_start3A_29 : memref<1000000x128xf32, #tpu.memory_space<hbm>>) target(%arg12 : memref<128x128xf32, #tpu.memory_space<vmem>>) offsets(%dma_start3A_26 : memref<128xi32, #tpu.memory_space<vmem>>) semaphore(%arg16 : memref<!tpu.dma_semaphore, #tpu.memory_space<semaphore_mem>>)
    %scan3A = arith.constant 0 : i32
    %scan3A_30 = arith.constant 0 : i32
    %scan3A_31 = arith.constant 49 : i32
    %scan3A_32 = arith.addi %scan3A_30, %scan3A_31 : i32
    %scan3A_33 = arith.constant 1 : i32
    scf.for %scan3A_300 = %scan3A_30 to %scan3A_32 step %scan3A_33  : i32 {
      %mul3A_301 = arith.constant 4 : i32
      %mul3A_302 = arith.muli %scan3A_300, %mul3A_301 : i32
      %add3A_303 = arith.constant 0 : i32
      %add3A_304 = arith.addi %mul3A_302, %add3A_303 : i32
      %dma_wait3A_305 = arith.constant 0 : i32
      %dma_wait3A_306 = arith.constant 0 : i32
      %dma_wait3A_307 = tpu.memref_slice %arg7[%dma_wait3A_305, %dma_wait3A_306] : memref<200x128xi32, #tpu.memory_space<vmem>> -> memref<1x128xi32, #tpu.memory_space<vmem>>
      %dma_wait3A_308 = tpu.memref_squeeze %dma_wait3A_307 : memref<1x128xi32, #tpu.memory_space<vmem>> -> memref<128xi32, #tpu.memory_space<vmem>>
      %dma_wait3A_309 = arith.constant 0 : i32
      %dma_wait3A_310 = arith.constant 0 : i32
      %dma_wait3A_311 = tpu.memref_slice %arg2[%dma_wait3A_309, %dma_wait3A_310] : memref<1000000x128xf32, #tpu.memory_space<hbm>> -> memref<1000000x128xf32, #tpu.memory_space<hbm>>
      tpu.wait_indirect_dma semaphore(%arg13 : memref<!tpu.dma_semaphore, #tpu.memory_space<semaphore_mem>>) src(%dma_wait3A_311 : memref<1000000x128xf32, #tpu.memory_space<hbm>>) dst(%arg9 : memref<128x128xf32, #tpu.memory_space<vmem>>)
      %mul3A_312 = arith.constant 128 : i32
      %mul3A_313 = arith.muli %add3A_304, %mul3A_312 : i32
      %add3A_314 = arith.addi %mul3A_2, %mul3A_313 : i32
      %dma_start3A_315 = arith.constant 0 : i32
      %dma_start3A_316 = arith.constant 0 : i32
      %dma_start3A_317 = tpu.memref_slice %arg9[%dma_start3A_315, %dma_start3A_316] : memref<128x128xf32, #tpu.memory_space<vmem>> -> memref<128x32xf32, #tpu.memory_space<vmem>>
      %dma_start3A_318 = arith.constant 0 : i32
      %dma_start3A_319 = tpu.memref_slice %arg6[%add3A_314, %dma_start3A_318] : memref<819200x128xf32, #tpu.memory_space<hbm>> -> memref<128x32xf32, #tpu.memory_space<hbm>>
      %dma_start3A_320 = arith.constant 0 : i32
      %dma_start3A_321 = tpu.memref_slice %arg6[%add3A_314, %dma_start3A_320] : memref<819200x128xf32, #tpu.memory_space<hbm>> -> memref<128x32xf32, #tpu.memory_space<hbm>>
      %dma_start3A_322 = arith.constant 0 : i32
      %dma_start3A_323 = arith.constant 0 : i32
      %dma_start3A_324 = tpu.memref_slice %arg9[%dma_start3A_322, %dma_start3A_323] : memref<128x128xf32, #tpu.memory_space<vmem>> -> memref<128x32xf32, #tpu.memory_space<vmem>>
      tpu.enqueue_dma source(%dma_start3A_324 : memref<128x32xf32, #tpu.memory_space<vmem>>) target(%dma_start3A_321 : memref<128x32xf32, #tpu.memory_space<hbm>>) target_semaphore(%arg17 : memref<!tpu.dma_semaphore, #tpu.memory_space<semaphore_mem>>)
      %mul3A_325 = arith.constant 4 : i32
      %mul3A_326 = arith.muli %scan3A_300, %mul3A_325 : i32
      %add3A_327 = arith.constant 1 : i32
      %add3A_328 = arith.addi %mul3A_326, %add3A_327 : i32
      %dma_wait3A_329 = arith.constant 0 : i32
      %dma_wait3A_330 = arith.constant 0 : i32
      %dma_wait3A_331 = tpu.memref_slice %arg7[%dma_wait3A_329, %dma_wait3A_330] : memref<200x128xi32, #tpu.memory_space<vmem>> -> memref<1x128xi32, #tpu.memory_space<vmem>>
      %dma_wait3A_332 = tpu.memref_squeeze %dma_wait3A_331 : memref<1x128xi32, #tpu.memory_space<vmem>> -> memref<128xi32, #tpu.memory_space<vmem>>
      %dma_wait3A_333 = arith.constant 0 : i32
      %dma_wait3A_334 = arith.constant 0 : i32
      %dma_wait3A_335 = tpu.memref_slice %arg2[%dma_wait3A_333, %dma_wait3A_334] : memref<1000000x128xf32, #tpu.memory_space<hbm>> -> memref<1000000x128xf32, #tpu.memory_space<hbm>>
      tpu.wait_indirect_dma semaphore(%arg14 : memref<!tpu.dma_semaphore, #tpu.memory_space<semaphore_mem>>) src(%dma_wait3A_335 : memref<1000000x128xf32, #tpu.memory_space<hbm>>) dst(%arg10 : memref<128x128xf32, #tpu.memory_space<vmem>>)
      %mul3A_336 = arith.constant 128 : i32
      %mul3A_337 = arith.muli %add3A_328, %mul3A_336 : i32
      %add3A_338 = arith.addi %mul3A_2, %mul3A_337 : i32
      %dma_start3A_339 = arith.constant 0 : i32
      %dma_start3A_340 = arith.constant 0 : i32
      %dma_start3A_341 = tpu.memref_slice %arg10[%dma_start3A_339, %dma_start3A_340] : memref<128x128xf32, #tpu.memory_space<vmem>> -> memref<128x32xf32, #tpu.memory_space<vmem>>
      %dma_start3A_342 = arith.constant 0 : i32
      %dma_start3A_343 = tpu.memref_slice %arg6[%add3A_338, %dma_start3A_342] : memref<819200x128xf32, #tpu.memory_space<hbm>> -> memref<128x32xf32, #tpu.memory_space<hbm>>
      %dma_start3A_344 = arith.constant 0 : i32
      %dma_start3A_345 = tpu.memref_slice %arg6[%add3A_338, %dma_start3A_344] : memref<819200x128xf32, #tpu.memory_space<hbm>> -> memref<128x32xf32, #tpu.memory_space<hbm>>
      %dma_start3A_346 = arith.constant 0 : i32
      %dma_start3A_347 = arith.constant 0 : i32
      %dma_start3A_348 = tpu.memref_slice %arg10[%dma_start3A_346, %dma_start3A_347] : memref<128x128xf32, #tpu.memory_space<vmem>> -> memref<128x32xf32, #tpu.memory_space<vmem>>
      tpu.enqueue_dma source(%dma_start3A_348 : memref<128x32xf32, #tpu.memory_space<vmem>>) target(%dma_start3A_345 : memref<128x32xf32, #tpu.memory_space<hbm>>) target_semaphore(%arg18 : memref<!tpu.dma_semaphore, #tpu.memory_space<semaphore_mem>>)
      %mul3A_349 = arith.constant 4 : i32
      %mul3A_350 = arith.muli %scan3A_300, %mul3A_349 : i32
      %add3A_351 = arith.constant 2 : i32
      %add3A_352 = arith.addi %mul3A_350, %add3A_351 : i32
      %dma_wait3A_353 = arith.constant 0 : i32
      %dma_wait3A_354 = arith.constant 0 : i32
      %dma_wait3A_355 = tpu.memref_slice %arg7[%dma_wait3A_353, %dma_wait3A_354] : memref<200x128xi32, #tpu.memory_space<vmem>> -> memref<1x128xi32, #tpu.memory_space<vmem>>
      %dma_wait3A_356 = tpu.memref_squeeze %dma_wait3A_355 : memref<1x128xi32, #tpu.memory_space<vmem>> -> memref<128xi32, #tpu.memory_space<vmem>>
      %dma_wait3A_357 = arith.constant 0 : i32
      %dma_wait3A_358 = arith.constant 0 : i32
      %dma_wait3A_359 = tpu.memref_slice %arg2[%dma_wait3A_357, %dma_wait3A_358] : memref<1000000x128xf32, #tpu.memory_space<hbm>> -> memref<1000000x128xf32, #tpu.memory_space<hbm>>
      tpu.wait_indirect_dma semaphore(%arg15 : memref<!tpu.dma_semaphore, #tpu.memory_space<semaphore_mem>>) src(%dma_wait3A_359 : memref<1000000x128xf32, #tpu.memory_space<hbm>>) dst(%arg11 : memref<128x128xf32, #tpu.memory_space<vmem>>)
      %mul3A_360 = arith.constant 128 : i32
      %mul3A_361 = arith.muli %add3A_352, %mul3A_360 : i32
      %add3A_362 = arith.addi %mul3A_2, %mul3A_361 : i32
      %dma_start3A_363 = arith.constant 0 : i32
      %dma_start3A_364 = arith.constant 0 : i32
      %dma_start3A_365 = tpu.memref_slice %arg11[%dma_start3A_363, %dma_start3A_364] : memref<128x128xf32, #tpu.memory_space<vmem>> -> memref<128x32xf32, #tpu.memory_space<vmem>>
      %dma_start3A_366 = arith.constant 0 : i32
      %dma_start3A_367 = tpu.memref_slice %arg6[%add3A_362, %dma_start3A_366] : memref<819200x128xf32, #tpu.memory_space<hbm>> -> memref<128x32xf32, #tpu.memory_space<hbm>>
      %dma_start3A_368 = arith.constant 0 : i32
      %dma_start3A_369 = tpu.memref_slice %arg6[%add3A_362, %dma_start3A_368] : memref<819200x128xf32, #tpu.memory_space<hbm>> -> memref<128x32xf32, #tpu.memory_space<hbm>>
      %dma_start3A_370 = arith.constant 0 : i32
      %dma_start3A_371 = arith.constant 0 : i32
      %dma_start3A_372 = tpu.memref_slice %arg11[%dma_start3A_370, %dma_start3A_371] : memref<128x128xf32, #tpu.memory_space<vmem>> -> memref<128x32xf32, #tpu.memory_space<vmem>>
      tpu.enqueue_dma source(%dma_start3A_372 : memref<128x32xf32, #tpu.memory_space<vmem>>) target(%dma_start3A_369 : memref<128x32xf32, #tpu.memory_space<hbm>>) target_semaphore(%arg19 : memref<!tpu.dma_semaphore, #tpu.memory_space<semaphore_mem>>)
      %mul3A_373 = arith.constant 4 : i32
      %mul3A_374 = arith.muli %scan3A_300, %mul3A_373 : i32
      %add3A_375 = arith.constant 3 : i32
      %add3A_376 = arith.addi %mul3A_374, %add3A_375 : i32
      %dma_wait3A_377 = arith.constant 0 : i32
      %dma_wait3A_378 = arith.constant 0 : i32
      %dma_wait3A_379 = tpu.memref_slice %arg7[%dma_wait3A_377, %dma_wait3A_378] : memref<200x128xi32, #tpu.memory_space<vmem>> -> memref<1x128xi32, #tpu.memory_space<vmem>>
      %dma_wait3A_380 = tpu.memref_squeeze %dma_wait3A_379 : memref<1x128xi32, #tpu.memory_space<vmem>> -> memref<128xi32, #tpu.memory_space<vmem>>
      %dma_wait3A_381 = arith.constant 0 : i32
      %dma_wait3A_382 = arith.constant 0 : i32
      %dma_wait3A_383 = tpu.memref_slice %arg2[%dma_wait3A_381, %dma_wait3A_382] : memref<1000000x128xf32, #tpu.memory_space<hbm>> -> memref<1000000x128xf32, #tpu.memory_space<hbm>>
      tpu.wait_indirect_dma semaphore(%arg16 : memref<!tpu.dma_semaphore, #tpu.memory_space<semaphore_mem>>) src(%dma_wait3A_383 : memref<1000000x128xf32, #tpu.memory_space<hbm>>) dst(%arg12 : memref<128x128xf32, #tpu.memory_space<vmem>>)
      %mul3A_384 = arith.constant 128 : i32
      %mul3A_385 = arith.muli %add3A_376, %mul3A_384 : i32
      %add3A_386 = arith.addi %mul3A_2, %mul3A_385 : i32
      %dma_start3A_387 = arith.constant 0 : i32
      %dma_start3A_388 = arith.constant 0 : i32
      %dma_start3A_389 = tpu.memref_slice %arg12[%dma_start3A_387, %dma_start3A_388] : memref<128x128xf32, #tpu.memory_space<vmem>> -> memref<128x32xf32, #tpu.memory_space<vmem>>
      %dma_start3A_390 = arith.constant 0 : i32
      %dma_start3A_391 = tpu.memref_slice %arg6[%add3A_386, %dma_start3A_390] : memref<819200x128xf32, #tpu.memory_space<hbm>> -> memref<128x32xf32, #tpu.memory_space<hbm>>
      %dma_start3A_392 = arith.constant 0 : i32
      %dma_start3A_393 = tpu.memref_slice %arg6[%add3A_386, %dma_start3A_392] : memref<819200x128xf32, #tpu.memory_space<hbm>> -> memref<128x32xf32, #tpu.memory_space<hbm>>
      %dma_start3A_394 = arith.constant 0 : i32
      %dma_start3A_395 = arith.constant 0 : i32
      %dma_start3A_396 = tpu.memref_slice %arg12[%dma_start3A_394, %dma_start3A_395] : memref<128x128xf32, #tpu.memory_space<vmem>> -> memref<128x32xf32, #tpu.memory_space<vmem>>
      tpu.enqueue_dma source(%dma_start3A_396 : memref<128x32xf32, #tpu.memory_space<vmem>>) target(%dma_start3A_393 : memref<128x32xf32, #tpu.memory_space<hbm>>) target_semaphore(%arg20 : memref<!tpu.dma_semaphore, #tpu.memory_space<semaphore_mem>>)
      %mul3A_397 = arith.constant 4 : i32
      %mul3A_398 = arith.muli %scan3A_300, %mul3A_397 : i32
      %add3A_399 = arith.constant 0 : i32
      %add3A_400 = arith.addi %mul3A_398, %add3A_399 : i32
      %dma_wait3A_401 = arith.constant 0 : i32
      %dma_wait3A_402 = arith.constant 0 : i32
      %dma_wait3A_403 = tpu.memref_slice %arg9[%dma_wait3A_401, %dma_wait3A_402] : memref<128x128xf32, #tpu.memory_space<vmem>> -> memref<128x32xf32, #tpu.memory_space<vmem>>
      %dma_wait3A_404 = arith.constant 0 : i32
      %dma_wait3A_405 = tpu.memref_slice %arg6[%mul3A_2, %dma_wait3A_404] : memref<819200x128xf32, #tpu.memory_space<hbm>> -> memref<128x32xf32, #tpu.memory_space<hbm>>
      %dma_wait3A_406 = arith.constant 0 : i32
      %dma_wait3A_407 = tpu.memref_slice %arg6[%mul3A_2, %dma_wait3A_406] : memref<819200x128xf32, #tpu.memory_space<hbm>> -> memref<128x32xf32, #tpu.memory_space<hbm>>
      %dma_wait3A_408 = arith.constant 0 : i32
      %dma_wait3A_409 = arith.constant 0 : i32
      %dma_wait3A_410 = tpu.memref_slice %arg9[%dma_wait3A_408, %dma_wait3A_409] : memref<128x128xf32, #tpu.memory_space<vmem>> -> memref<128x32xf32, #tpu.memory_space<vmem>>
      tpu.wait_dma2 semaphore(%arg17 : memref<!tpu.dma_semaphore, #tpu.memory_space<semaphore_mem>>) src(%dma_wait3A_410 : memref<128x32xf32, #tpu.memory_space<vmem>>) dst(%dma_wait3A_407 : memref<128x32xf32, #tpu.memory_space<hbm>>)
      %add3A_411 = arith.constant 4 : i32
      %add3A_412 = arith.addi %add3A_400, %add3A_411 : i32
      %dma_start3A_413 = arith.constant 0 : i32
      %dma_start3A_414 = tpu.memref_slice %arg7[%add3A_412, %dma_start3A_413] : memref<200x128xi32, #tpu.memory_space<vmem>> -> memref<1x128xi32, #tpu.memory_space<vmem>>
      %dma_start3A_415 = tpu.memref_squeeze %dma_start3A_414 : memref<1x128xi32, #tpu.memory_space<vmem>> -> memref<128xi32, #tpu.memory_space<vmem>>
      %dma_start3A_416 = arith.constant 0 : i32
      %dma_start3A_417 = arith.constant 0 : i32
      %dma_start3A_418 = tpu.memref_slice %arg2[%dma_start3A_416, %dma_start3A_417] : memref<1000000x128xf32, #tpu.memory_space<hbm>> -> memref<1000000x128xf32, #tpu.memory_space<hbm>>
      tpu.enqueue_indirect_dma source(%dma_start3A_418 : memref<1000000x128xf32, #tpu.memory_space<hbm>>) target(%arg9 : memref<128x128xf32, #tpu.memory_space<vmem>>) offsets(%dma_start3A_415 : memref<128xi32, #tpu.memory_space<vmem>>) semaphore(%arg13 : memref<!tpu.dma_semaphore, #tpu.memory_space<semaphore_mem>>)
      %mul3A_419 = arith.constant 4 : i32
      %mul3A_420 = arith.muli %scan3A_300, %mul3A_419 : i32
      %add3A_421 = arith.constant 1 : i32
      %add3A_422 = arith.addi %mul3A_420, %add3A_421 : i32
      %dma_wait3A_423 = arith.constant 0 : i32
      %dma_wait3A_424 = arith.constant 0 : i32
      %dma_wait3A_425 = tpu.memref_slice %arg10[%dma_wait3A_423, %dma_wait3A_424] : memref<128x128xf32, #tpu.memory_space<vmem>> -> memref<128x32xf32, #tpu.memory_space<vmem>>
      %dma_wait3A_426 = arith.constant 0 : i32
      %dma_wait3A_427 = tpu.memref_slice %arg6[%mul3A_2, %dma_wait3A_426] : memref<819200x128xf32, #tpu.memory_space<hbm>> -> memref<128x32xf32, #tpu.memory_space<hbm>>
      %dma_wait3A_428 = arith.constant 0 : i32
      %dma_wait3A_429 = tpu.memref_slice %arg6[%mul3A_2, %dma_wait3A_428] : memref<819200x128xf32, #tpu.memory_space<hbm>> -> memref<128x32xf32, #tpu.memory_space<hbm>>
      %dma_wait3A_430 = arith.constant 0 : i32
      %dma_wait3A_431 = arith.constant 0 : i32
      %dma_wait3A_432 = tpu.memref_slice %arg10[%dma_wait3A_430, %dma_wait3A_431] : memref<128x128xf32, #tpu.memory_space<vmem>> -> memref<128x32xf32, #tpu.memory_space<vmem>>
      tpu.wait_dma2 semaphore(%arg18 : memref<!tpu.dma_semaphore, #tpu.memory_space<semaphore_mem>>) src(%dma_wait3A_432 : memref<128x32xf32, #tpu.memory_space<vmem>>) dst(%dma_wait3A_429 : memref<128x32xf32, #tpu.memory_space<hbm>>)
      %add3A_433 = arith.constant 4 : i32
      %add3A_434 = arith.addi %add3A_422, %add3A_433 : i32
      %dma_start3A_435 = arith.constant 0 : i32
      %dma_start3A_436 = tpu.memref_slice %arg7[%add3A_434, %dma_start3A_435] : memref<200x128xi32, #tpu.memory_space<vmem>> -> memref<1x128xi32, #tpu.memory_space<vmem>>
      %dma_start3A_437 = tpu.memref_squeeze %dma_start3A_436 : memref<1x128xi32, #tpu.memory_space<vmem>> -> memref<128xi32, #tpu.memory_space<vmem>>
      %dma_start3A_438 = arith.constant 0 : i32
      %dma_start3A_439 = arith.constant 0 : i32
      %dma_start3A_440 = tpu.memref_slice %arg2[%dma_start3A_438, %dma_start3A_439] : memref<1000000x128xf32, #tpu.memory_space<hbm>> -> memref<1000000x128xf32, #tpu.memory_space<hbm>>
      tpu.enqueue_indirect_dma source(%dma_start3A_440 : memref<1000000x128xf32, #tpu.memory_space<hbm>>) target(%arg10 : memref<128x128xf32, #tpu.memory_space<vmem>>) offsets(%dma_start3A_437 : memref<128xi32, #tpu.memory_space<vmem>>) semaphore(%arg14 : memref<!tpu.dma_semaphore, #tpu.memory_space<semaphore_mem>>)
      %mul3A_441 = arith.constant 4 : i32
      %mul3A_442 = arith.muli %scan3A_300, %mul3A_441 : i32
      %add3A_443 = arith.constant 2 : i32
      %add3A_444 = arith.addi %mul3A_442, %add3A_443 : i32
      %dma_wait3A_445 = arith.constant 0 : i32
      %dma_wait3A_446 = arith.constant 0 : i32
      %dma_wait3A_447 = tpu.memref_slice %arg11[%dma_wait3A_445, %dma_wait3A_446] : memref<128x128xf32, #tpu.memory_space<vmem>> -> memref<128x32xf32, #tpu.memory_space<vmem>>
      %dma_wait3A_448 = arith.constant 0 : i32
      %dma_wait3A_449 = tpu.memref_slice %arg6[%mul3A_2, %dma_wait3A_448] : memref<819200x128xf32, #tpu.memory_space<hbm>> -> memref<128x32xf32, #tpu.memory_space<hbm>>
      %dma_wait3A_450 = arith.constant 0 : i32
      %dma_wait3A_451 = tpu.memref_slice %arg6[%mul3A_2, %dma_wait3A_450] : memref<819200x128xf32, #tpu.memory_space<hbm>> -> memref<128x32xf32, #tpu.memory_space<hbm>>
      %dma_wait3A_452 = arith.constant 0 : i32
      %dma_wait3A_453 = arith.constant 0 : i32
      %dma_wait3A_454 = tpu.memref_slice %arg11[%dma_wait3A_452, %dma_wait3A_453] : memref<128x128xf32, #tpu.memory_space<vmem>> -> memref<128x32xf32, #tpu.memory_space<vmem>>
      tpu.wait_dma2 semaphore(%arg19 : memref<!tpu.dma_semaphore, #tpu.memory_space<semaphore_mem>>) src(%dma_wait3A_454 : memref<128x32xf32, #tpu.memory_space<vmem>>) dst(%dma_wait3A_451 : memref<128x32xf32, #tpu.memory_space<hbm>>)
      %add3A_455 = arith.constant 4 : i32
      %add3A_456 = arith.addi %add3A_444, %add3A_455 : i32
      %dma_start3A_457 = arith.constant 0 : i32
      %dma_start3A_458 = tpu.memref_slice %arg7[%add3A_456, %dma_start3A_457] : memref<200x128xi32, #tpu.memory_space<vmem>> -> memref<1x128xi32, #tpu.memory_space<vmem>>
      %dma_start3A_459 = tpu.memref_squeeze %dma_start3A_458 : memref<1x128xi32, #tpu.memory_space<vmem>> -> memref<128xi32, #tpu.memory_space<vmem>>
      %dma_start3A_460 = arith.constant 0 : i32
      %dma_start3A_461 = arith.constant 0 : i32
      %dma_start3A_462 = tpu.memref_slice %arg2[%dma_start3A_460, %dma_start3A_461] : memref<1000000x128xf32, #tpu.memory_space<hbm>> -> memref<1000000x128xf32, #tpu.memory_space<hbm>>
      tpu.enqueue_indirect_dma source(%dma_start3A_462 : memref<1000000x128xf32, #tpu.memory_space<hbm>>) target(%arg11 : memref<128x128xf32, #tpu.memory_space<vmem>>) offsets(%dma_start3A_459 : memref<128xi32, #tpu.memory_space<vmem>>) semaphore(%arg15 : memref<!tpu.dma_semaphore, #tpu.memory_space<semaphore_mem>>)
      %mul3A_463 = arith.constant 4 : i32
      %mul3A_464 = arith.muli %scan3A_300, %mul3A_463 : i32
      %add3A_465 = arith.constant 3 : i32
      %add3A_466 = arith.addi %mul3A_464, %add3A_465 : i32
      %dma_wait3A_467 = arith.constant 0 : i32
      %dma_wait3A_468 = arith.constant 0 : i32
      %dma_wait3A_469 = tpu.memref_slice %arg12[%dma_wait3A_467, %dma_wait3A_468] : memref<128x128xf32, #tpu.memory_space<vmem>> -> memref<128x32xf32, #tpu.memory_space<vmem>>
      %dma_wait3A_470 = arith.constant 0 : i32
      %dma_wait3A_471 = tpu.memref_slice %arg6[%mul3A_2, %dma_wait3A_470] : memref<819200x128xf32, #tpu.memory_space<hbm>> -> memref<128x32xf32, #tpu.memory_space<hbm>>
      %dma_wait3A_472 = arith.constant 0 : i32
      %dma_wait3A_473 = tpu.memref_slice %arg6[%mul3A_2, %dma_wait3A_472] : memref<819200x128xf32, #tpu.memory_space<hbm>> -> memref<128x32xf32, #tpu.memory_space<hbm>>
      %dma_wait3A_474 = arith.constant 0 : i32
      %dma_wait3A_475 = arith.constant 0 : i32
      %dma_wait3A_476 = tpu.memref_slice %arg12[%dma_wait3A_474, %dma_wait3A_475] : memref<128x128xf32, #tpu.memory_space<vmem>> -> memref<128x32xf32, #tpu.memory_space<vmem>>
      tpu.wait_dma2 semaphore(%arg20 : memref<!tpu.dma_semaphore, #tpu.memory_space<semaphore_mem>>) src(%dma_wait3A_476 : memref<128x32xf32, #tpu.memory_space<vmem>>) dst(%dma_wait3A_473 : memref<128x32xf32, #tpu.memory_space<hbm>>)
      %add3A_477 = arith.constant 4 : i32
      %add3A_478 = arith.addi %add3A_466, %add3A_477 : i32
      %dma_start3A_479 = arith.constant 0 : i32
      %dma_start3A_480 = tpu.memref_slice %arg7[%add3A_478, %dma_start3A_479] : memref<200x128xi32, #tpu.memory_space<vmem>> -> memref<1x128xi32, #tpu.memory_space<vmem>>
      %dma_start3A_481 = tpu.memref_squeeze %dma_start3A_480 : memref<1x128xi32, #tpu.memory_space<vmem>> -> memref<128xi32, #tpu.memory_space<vmem>>
      %dma_start3A_482 = arith.constant 0 : i32
      %dma_start3A_483 = arith.constant 0 : i32
      %dma_start3A_484 = tpu.memref_slice %arg2[%dma_start3A_482, %dma_start3A_483] : memref<1000000x128xf32, #tpu.memory_space<hbm>> -> memref<1000000x128xf32, #tpu.memory_space<hbm>>
      tpu.enqueue_indirect_dma source(%dma_start3A_484 : memref<1000000x128xf32, #tpu.memory_space<hbm>>) target(%arg12 : memref<128x128xf32, #tpu.memory_space<vmem>>) offsets(%dma_start3A_481 : memref<128xi32, #tpu.memory_space<vmem>>) semaphore(%arg16 : memref<!tpu.dma_semaphore, #tpu.memory_space<semaphore_mem>>)
    }
    %scan3A_34 = arith.constant 49 : i32
    %dma_wait3A = arith.constant 0 : i32
    %dma_wait3A_35 = arith.constant 0 : i32
    %dma_wait3A_36 = tpu.memref_slice %arg7[%dma_wait3A, %dma_wait3A_35] : memref<200x128xi32, #tpu.memory_space<vmem>> -> memref<1x128xi32, #tpu.memory_space<vmem>>
    %dma_wait3A_37 = tpu.memref_squeeze %dma_wait3A_36 : memref<1x128xi32, #tpu.memory_space<vmem>> -> memref<128xi32, #tpu.memory_space<vmem>>
    %dma_wait3A_38 = arith.constant 0 : i32
    %dma_wait3A_39 = arith.constant 0 : i32
    %dma_wait3A_40 = tpu.memref_slice %arg2[%dma_wait3A_38, %dma_wait3A_39] : memref<1000000x128xf32, #tpu.memory_space<hbm>> -> memref<1000000x128xf32, #tpu.memory_space<hbm>>
    tpu.wait_indirect_dma semaphore(%arg13 : memref<!tpu.dma_semaphore, #tpu.memory_space<semaphore_mem>>) src(%dma_wait3A_40 : memref<1000000x128xf32, #tpu.memory_space<hbm>>) dst(%arg9 : memref<128x128xf32, #tpu.memory_space<vmem>>)
    %add3A_41 = arith.constant 25088 : i32
    %add3A_42 = arith.addi %mul3A_2, %add3A_41 : i32
    %dma_start3A_43 = arith.constant 0 : i32
    %dma_start3A_44 = arith.constant 0 : i32
    %dma_start3A_45 = tpu.memref_slice %arg9[%dma_start3A_43, %dma_start3A_44] : memref<128x128xf32, #tpu.memory_space<vmem>> -> memref<128x32xf32, #tpu.memory_space<vmem>>
    %dma_start3A_46 = arith.constant 0 : i32
    %dma_start3A_47 = tpu.memref_slice %arg6[%add3A_42, %dma_start3A_46] : memref<819200x128xf32, #tpu.memory_space<hbm>> -> memref<128x32xf32, #tpu.memory_space<hbm>>
    %dma_start3A_48 = arith.constant 0 : i32
    %dma_start3A_49 = tpu.memref_slice %arg6[%add3A_42, %dma_start3A_48] : memref<819200x128xf32, #tpu.memory_space<hbm>> -> memref<128x32xf32, #tpu.memory_space<hbm>>
    %dma_start3A_50 = arith.constant 0 : i32
    %dma_start3A_51 = arith.constant 0 : i32
    %dma_start3A_52 = tpu.memref_slice %arg9[%dma_start3A_50, %dma_start3A_51] : memref<128x128xf32, #tpu.memory_space<vmem>> -> memref<128x32xf32, #tpu.memory_space<vmem>>
    tpu.enqueue_dma source(%dma_start3A_52 : memref<128x32xf32, #tpu.memory_space<vmem>>) target(%dma_start3A_49 : memref<128x32xf32, #tpu.memory_space<hbm>>) target_semaphore(%arg17 : memref<!tpu.dma_semaphore, #tpu.memory_space<semaphore_mem>>)
    %dma_wait3A_53 = arith.constant 0 : i32
    %dma_wait3A_54 = arith.constant 0 : i32
    %dma_wait3A_55 = tpu.memref_slice %arg7[%dma_wait3A_53, %dma_wait3A_54] : memref<200x128xi32, #tpu.memory_space<vmem>> -> memref<1x128xi32, #tpu.memory_space<vmem>>
    %dma_wait3A_56 = tpu.memref_squeeze %dma_wait3A_55 : memref<1x128xi32, #tpu.memory_space<vmem>> -> memref<128xi32, #tpu.memory_space<vmem>>
    %dma_wait3A_57 = arith.constant 0 : i32
    %dma_wait3A_58 = arith.constant 0 : i32
    %dma_wait3A_59 = tpu.memref_slice %arg2[%dma_wait3A_57, %dma_wait3A_58] : memref<1000000x128xf32, #tpu.memory_space<hbm>> -> memref<1000000x128xf32, #tpu.memory_space<hbm>>
    tpu.wait_indirect_dma semaphore(%arg14 : memref<!tpu.dma_semaphore, #tpu.memory_space<semaphore_mem>>) src(%dma_wait3A_59 : memref<1000000x128xf32, #tpu.memory_space<hbm>>) dst(%arg10 : memref<128x128xf32, #tpu.memory_space<vmem>>)
    %add3A_60 = arith.constant 25216 : i32
    %add3A_61 = arith.addi %mul3A_2, %add3A_60 : i32
    %dma_start3A_62 = arith.constant 0 : i32
    %dma_start3A_63 = arith.constant 0 : i32
    %dma_start3A_64 = tpu.memref_slice %arg10[%dma_start3A_62, %dma_start3A_63] : memref<128x128xf32, #tpu.memory_space<vmem>> -> memref<128x32xf32, #tpu.memory_space<vmem>>
    %dma_start3A_65 = arith.constant 0 : i32
    %dma_start3A_66 = tpu.memref_slice %arg6[%add3A_61, %dma_start3A_65] : memref<819200x128xf32, #tpu.memory_space<hbm>> -> memref<128x32xf32, #tpu.memory_space<hbm>>
    %dma_start3A_67 = arith.constant 0 : i32
    %dma_start3A_68 = tpu.memref_slice %arg6[%add3A_61, %dma_start3A_67] : memref<819200x128xf32, #tpu.memory_space<hbm>> -> memref<128x32xf32, #tpu.memory_space<hbm>>
    %dma_start3A_69 = arith.constant 0 : i32
    %dma_start3A_70 = arith.constant 0 : i32
    %dma_start3A_71 = tpu.memref_slice %arg10[%dma_start3A_69, %dma_start3A_70] : memref<128x128xf32, #tpu.memory_space<vmem>> -> memref<128x32xf32, #tpu.memory_space<vmem>>
    tpu.enqueue_dma source(%dma_start3A_71 : memref<128x32xf32, #tpu.memory_space<vmem>>) target(%dma_start3A_68 : memref<128x32xf32, #tpu.memory_space<hbm>>) target_semaphore(%arg18 : memref<!tpu.dma_semaphore, #tpu.memory_space<semaphore_mem>>)
    %dma_wait3A_72 = arith.constant 0 : i32
    %dma_wait3A_73 = arith.constant 0 : i32
    %dma_wait3A_74 = tpu.memref_slice %arg7[%dma_wait3A_72, %dma_wait3A_73] : memref<200x128xi32, #tpu.memory_space<vmem>> -> memref<1x128xi32, #tpu.memory_space<vmem>>
    %dma_wait3A_75 = tpu.memref_squeeze %dma_wait3A_74 : memref<1x128xi32, #tpu.memory_space<vmem>> -> memref<128xi32, #tpu.memory_space<vmem>>
    %dma_wait3A_76 = arith.constant 0 : i32
    %dma_wait3A_77 = arith.constant 0 : i32
    %dma_wait3A_78 = tpu.memref_slice %arg2[%dma_wait3A_76, %dma_wait3A_77] : memref<1000000x128xf32, #tpu.memory_space<hbm>> -> memref<1000000x128xf32, #tpu.memory_space<hbm>>
    tpu.wait_indirect_dma semaphore(%arg15 : memref<!tpu.dma_semaphore, #tpu.memory_space<semaphore_mem>>) src(%dma_wait3A_78 : memref<1000000x128xf32, #tpu.memory_space<hbm>>) dst(%arg11 : memref<128x128xf32, #tpu.memory_space<vmem>>)
    %add3A_79 = arith.constant 25344 : i32
    %add3A_80 = arith.addi %mul3A_2, %add3A_79 : i32
    %dma_start3A_81 = arith.constant 0 : i32
    %dma_start3A_82 = arith.constant 0 : i32
    %dma_start3A_83 = tpu.memref_slice %arg11[%dma_start3A_81, %dma_start3A_82] : memref<128x128xf32, #tpu.memory_space<vmem>> -> memref<128x32xf32, #tpu.memory_space<vmem>>
    %dma_start3A_84 = arith.constant 0 : i32
    %dma_start3A_85 = tpu.memref_slice %arg6[%add3A_80, %dma_start3A_84] : memref<819200x128xf32, #tpu.memory_space<hbm>> -> memref<128x32xf32, #tpu.memory_space<hbm>>
    %dma_start3A_86 = arith.constant 0 : i32
    %dma_start3A_87 = tpu.memref_slice %arg6[%add3A_80, %dma_start3A_86] : memref<819200x128xf32, #tpu.memory_space<hbm>> -> memref<128x32xf32, #tpu.memory_space<hbm>>
    %dma_start3A_88 = arith.constant 0 : i32
    %dma_start3A_89 = arith.constant 0 : i32
    %dma_start3A_90 = tpu.memref_slice %arg11[%dma_start3A_88, %dma_start3A_89] : memref<128x128xf32, #tpu.memory_space<vmem>> -> memref<128x32xf32, #tpu.memory_space<vmem>>
    tpu.enqueue_dma source(%dma_start3A_90 : memref<128x32xf32, #tpu.memory_space<vmem>>) target(%dma_start3A_87 : memref<128x32xf32, #tpu.memory_space<hbm>>) target_semaphore(%arg19 : memref<!tpu.dma_semaphore, #tpu.memory_space<semaphore_mem>>)
    %dma_wait3A_91 = arith.constant 0 : i32
    %dma_wait3A_92 = arith.constant 0 : i32
    %dma_wait3A_93 = tpu.memref_slice %arg7[%dma_wait3A_91, %dma_wait3A_92] : memref<200x128xi32, #tpu.memory_space<vmem>> -> memref<1x128xi32, #tpu.memory_space<vmem>>
    %dma_wait3A_94 = tpu.memref_squeeze %dma_wait3A_93 : memref<1x128xi32, #tpu.memory_space<vmem>> -> memref<128xi32, #tpu.memory_space<vmem>>
    %dma_wait3A_95 = arith.constant 0 : i32
    %dma_wait3A_96 = arith.constant 0 : i32
    %dma_wait3A_97 = tpu.memref_slice %arg2[%dma_wait3A_95, %dma_wait3A_96] : memref<1000000x128xf32, #tpu.memory_space<hbm>> -> memref<1000000x128xf32, #tpu.memory_space<hbm>>
    tpu.wait_indirect_dma semaphore(%arg16 : memref<!tpu.dma_semaphore, #tpu.memory_space<semaphore_mem>>) src(%dma_wait3A_97 : memref<1000000x128xf32, #tpu.memory_space<hbm>>) dst(%arg12 : memref<128x128xf32, #tpu.memory_space<vmem>>)
    %add3A_98 = arith.constant 25472 : i32
    %add3A_99 = arith.addi %mul3A_2, %add3A_98 : i32
    %dma_start3A_100 = arith.constant 0 : i32
    %dma_start3A_101 = arith.constant 0 : i32
    %dma_start3A_102 = tpu.memref_slice %arg12[%dma_start3A_100, %dma_start3A_101] : memref<128x128xf32, #tpu.memory_space<vmem>> -> memref<128x32xf32, #tpu.memory_space<vmem>>
    %dma_start3A_103 = arith.constant 0 : i32
    %dma_start3A_104 = tpu.memref_slice %arg6[%add3A_99, %dma_start3A_103] : memref<819200x128xf32, #tpu.memory_space<hbm>> -> memref<128x32xf32, #tpu.memory_space<hbm>>
    %dma_start3A_105 = arith.constant 0 : i32
    %dma_start3A_106 = tpu.memref_slice %arg6[%add3A_99, %dma_start3A_105] : memref<819200x128xf32, #tpu.memory_space<hbm>> -> memref<128x32xf32, #tpu.memory_space<hbm>>
    %dma_start3A_107 = arith.constant 0 : i32
    %dma_start3A_108 = arith.constant 0 : i32
    %dma_start3A_109 = tpu.memref_slice %arg12[%dma_start3A_107, %dma_start3A_108] : memref<128x128xf32, #tpu.memory_space<vmem>> -> memref<128x32xf32, #tpu.memory_space<vmem>>
    tpu.enqueue_dma source(%dma_start3A_109 : memref<128x32xf32, #tpu.memory_space<vmem>>) target(%dma_start3A_106 : memref<128x32xf32, #tpu.memory_space<hbm>>) target_semaphore(%arg20 : memref<!tpu.dma_semaphore, #tpu.memory_space<semaphore_mem>>)
    %dma_wait3A_110 = arith.constant 0 : i32
    %dma_wait3A_111 = arith.constant 0 : i32
    %dma_wait3A_112 = tpu.memref_slice %arg9[%dma_wait3A_110, %dma_wait3A_111] : memref<128x128xf32, #tpu.memory_space<vmem>> -> memref<128x32xf32, #tpu.memory_space<vmem>>
    %dma_wait3A_113 = arith.constant 0 : i32
    %dma_wait3A_114 = tpu.memref_slice %arg6[%mul3A_2, %dma_wait3A_113] : memref<819200x128xf32, #tpu.memory_space<hbm>> -> memref<128x32xf32, #tpu.memory_space<hbm>>
    %dma_wait3A_115 = arith.constant 0 : i32
    %dma_wait3A_116 = tpu.memref_slice %arg6[%mul3A_2, %dma_wait3A_115] : memref<819200x128xf32, #tpu.memory_space<hbm>> -> memref<128x32xf32, #tpu.memory_space<hbm>>
    %dma_wait3A_117 = arith.constant 0 : i32
    %dma_wait3A_118 = arith.constant 0 : i32
    %dma_wait3A_119 = tpu.memref_slice %arg9[%dma_wait3A_117, %dma_wait3A_118] : memref<128x128xf32, #tpu.memory_space<vmem>> -> memref<128x32xf32, #tpu.memory_space<vmem>>
    tpu.wait_dma2 semaphore(%arg17 : memref<!tpu.dma_semaphore, #tpu.memory_space<semaphore_mem>>) src(%dma_wait3A_119 : memref<128x32xf32, #tpu.memory_space<vmem>>) dst(%dma_wait3A_116 : memref<128x32xf32, #tpu.memory_space<hbm>>)
    %dma_wait3A_120 = arith.constant 0 : i32
    %dma_wait3A_121 = arith.constant 0 : i32
    %dma_wait3A_122 = tpu.memref_slice %arg10[%dma_wait3A_120, %dma_wait3A_121] : memref<128x128xf32, #tpu.memory_space<vmem>> -> memref<128x32xf32, #tpu.memory_space<vmem>>
    %dma_wait3A_123 = arith.constant 0 : i32
    %dma_wait3A_124 = tpu.memref_slice %arg6[%mul3A_2, %dma_wait3A_123] : memref<819200x128xf32, #tpu.memory_space<hbm>> -> memref<128x32xf32, #tpu.memory_space<hbm>>
    %dma_wait3A_125 = arith.constant 0 : i32
    %dma_wait3A_126 = tpu.memref_slice %arg6[%mul3A_2, %dma_wait3A_125] : memref<819200x128xf32, #tpu.memory_space<hbm>> -> memref<128x32xf32, #tpu.memory_space<hbm>>
    %dma_wait3A_127 = arith.constant 0 : i32
    %dma_wait3A_128 = arith.constant 0 : i32
    %dma_wait3A_129 = tpu.memref_slice %arg10[%dma_wait3A_127, %dma_wait3A_128] : memref<128x128xf32, #tpu.memory_space<vmem>> -> memref<128x32xf32, #tpu.memory_space<vmem>>
    tpu.wait_dma2 semaphore(%arg18 : memref<!tpu.dma_semaphore, #tpu.memory_space<semaphore_mem>>) src(%dma_wait3A_129 : memref<128x32xf32, #tpu.memory_space<vmem>>) dst(%dma_wait3A_126 : memref<128x32xf32, #tpu.memory_space<hbm>>)
    %dma_wait3A_130 = arith.constant 0 : i32
    %dma_wait3A_131 = arith.constant 0 : i32
    %dma_wait3A_132 = tpu.memref_slice %arg11[%dma_wait3A_130, %dma_wait3A_131] : memref<128x128xf32, #tpu.memory_space<vmem>> -> memref<128x32xf32, #tpu.memory_space<vmem>>
    %dma_wait3A_133 = arith.constant 0 : i32
    %dma_wait3A_134 = tpu.memref_slice %arg6[%mul3A_2, %dma_wait3A_133] : memref<819200x128xf32, #tpu.memory_space<hbm>> -> memref<128x32xf32, #tpu.memory_space<hbm>>
    %dma_wait3A_135 = arith.constant 0 : i32
    %dma_wait3A_136 = tpu.memref_slice %arg6[%mul3A_2, %dma_wait3A_135] : memref<819200x128xf32, #tpu.memory_space<hbm>> -> memref<128x32xf32, #tpu.memory_space<hbm>>
    %dma_wait3A_137 = arith.constant 0 : i32
    %dma_wait3A_138 = arith.constant 0 : i32
    %dma_wait3A_139 = tpu.memref_slice %arg11[%dma_wait3A_137, %dma_wait3A_138] : memref<128x128xf32, #tpu.memory_space<vmem>> -> memref<128x32xf32, #tpu.memory_space<vmem>>
    tpu.wait_dma2 semaphore(%arg19 : memref<!tpu.dma_semaphore, #tpu.memory_space<semaphore_mem>>) src(%dma_wait3A_139 : memref<128x32xf32, #tpu.memory_space<vmem>>) dst(%dma_wait3A_136 : memref<128x32xf32, #tpu.memory_space<hbm>>)
    %dma_wait3A_140 = arith.constant 0 : i32
    %dma_wait3A_141 = arith.constant 0 : i32
    %dma_wait3A_142 = tpu.memref_slice %arg12[%dma_wait3A_140, %dma_wait3A_141] : memref<128x128xf32, #tpu.memory_space<vmem>> -> memref<128x32xf32, #tpu.memory_space<vmem>>
    %dma_wait3A_143 = arith.constant 0 : i32
    %dma_wait3A_144 = tpu.memref_slice %arg6[%mul3A_2, %dma_wait3A_143] : memref<819200x128xf32, #tpu.memory_space<hbm>> -> memref<128x32xf32, #tpu.memory_space<hbm>>
    %dma_wait3A_145 = arith.constant 0 : i32
    %dma_wait3A_146 = tpu.memref_slice %arg6[%mul3A_2, %dma_wait3A_145] : memref<819200x128xf32, #tpu.memory_space<hbm>> -> memref<128x32xf32, #tpu.memory_space<hbm>>
    %dma_wait3A_147 = arith.constant 0 : i32
    %dma_wait3A_148 = arith.constant 0 : i32
    %dma_wait3A_149 = tpu.memref_slice %arg12[%dma_wait3A_147, %dma_wait3A_148] : memref<128x128xf32, #tpu.memory_space<vmem>> -> memref<128x32xf32, #tpu.memory_space<vmem>>
    tpu.wait_dma2 semaphore(%arg20 : memref<!tpu.dma_semaphore, #tpu.memory_space<semaphore_mem>>) src(%dma_wait3A_149 : memref<128x32xf32, #tpu.memory_space<vmem>>) dst(%dma_wait3A_146 : memref<128x32xf32, #tpu.memory_space<hbm>>)
    %dma_start3A_150 = arith.constant 0 : i32
    %dma_start3A_151 = arith.constant 0 : i32
    %dma_start3A_152 = tpu.memref_slice %arg8[%dma_start3A_150, %dma_start3A_151] : memref<200x128xi32, #tpu.memory_space<vmem>> -> memref<1x128xi32, #tpu.memory_space<vmem>>
    %dma_start3A_153 = tpu.memref_squeeze %dma_start3A_152 : memref<1x128xi32, #tpu.memory_space<vmem>> -> memref<128xi32, #tpu.memory_space<vmem>>
    %dma_start3A_154 = arith.constant 0 : i32
    %dma_start3A_155 = arith.constant 0 : i32
    %dma_start3A_156 = tpu.memref_slice %arg3[%dma_start3A_154, %dma_start3A_155] : memref<1000000x128xf32, #tpu.memory_space<hbm>> -> memref<1000000x128xf32, #tpu.memory_space<hbm>>
    tpu.enqueue_indirect_dma source(%dma_start3A_156 : memref<1000000x128xf32, #tpu.memory_space<hbm>>) target(%arg9 : memref<128x128xf32, #tpu.memory_space<vmem>>) offsets(%dma_start3A_153 : memref<128xi32, #tpu.memory_space<vmem>>) semaphore(%arg13 : memref<!tpu.dma_semaphore, #tpu.memory_space<semaphore_mem>>)
    %dma_start3A_157 = arith.constant 1 : i32
    %dma_start3A_158 = arith.constant 0 : i32
    %dma_start3A_159 = tpu.memref_slice %arg8[%dma_start3A_157, %dma_start3A_158] : memref<200x128xi32, #tpu.memory_space<vmem>> -> memref<1x128xi32, #tpu.memory_space<vmem>>
    %dma_start3A_160 = tpu.memref_squeeze %dma_start3A_159 : memref<1x128xi32, #tpu.memory_space<vmem>> -> memref<128xi32, #tpu.memory_space<vmem>>
    %dma_start3A_161 = arith.constant 0 : i32
    %dma_start3A_162 = arith.constant 0 : i32
    %dma_start3A_163 = tpu.memref_slice %arg3[%dma_start3A_161, %dma_start3A_162] : memref<1000000x128xf32, #tpu.memory_space<hbm>> -> memref<1000000x128xf32, #tpu.memory_space<hbm>>
    tpu.enqueue_indirect_dma source(%dma_start3A_163 : memref<1000000x128xf32, #tpu.memory_space<hbm>>) target(%arg10 : memref<128x128xf32, #tpu.memory_space<vmem>>) offsets(%dma_start3A_160 : memref<128xi32, #tpu.memory_space<vmem>>) semaphore(%arg14 : memref<!tpu.dma_semaphore, #tpu.memory_space<semaphore_mem>>)
    %dma_start3A_164 = arith.constant 2 : i32
    %dma_start3A_165 = arith.constant 0 : i32
    %dma_start3A_166 = tpu.memref_slice %arg8[%dma_start3A_164, %dma_start3A_165] : memref<200x128xi32, #tpu.memory_space<vmem>> -> memref<1x128xi32, #tpu.memory_space<vmem>>
    %dma_start3A_167 = tpu.memref_squeeze %dma_start3A_166 : memref<1x128xi32, #tpu.memory_space<vmem>> -> memref<128xi32, #tpu.memory_space<vmem>>
    %dma_start3A_168 = arith.constant 0 : i32
    %dma_start3A_169 = arith.constant 0 : i32
    %dma_start3A_170 = tpu.memref_slice %arg3[%dma_start3A_168, %dma_start3A_169] : memref<1000000x128xf32, #tpu.memory_space<hbm>> -> memref<1000000x128xf32, #tpu.memory_space<hbm>>
    tpu.enqueue_indirect_dma source(%dma_start3A_170 : memref<1000000x128xf32, #tpu.memory_space<hbm>>) target(%arg11 : memref<128x128xf32, #tpu.memory_space<vmem>>) offsets(%dma_start3A_167 : memref<128xi32, #tpu.memory_space<vmem>>) semaphore(%arg15 : memref<!tpu.dma_semaphore, #tpu.memory_space<semaphore_mem>>)
    %dma_start3A_171 = arith.constant 3 : i32
    %dma_start3A_172 = arith.constant 0 : i32
    %dma_start3A_173 = tpu.memref_slice %arg8[%dma_start3A_171, %dma_start3A_172] : memref<200x128xi32, #tpu.memory_space<vmem>> -> memref<1x128xi32, #tpu.memory_space<vmem>>
    %dma_start3A_174 = tpu.memref_squeeze %dma_start3A_173 : memref<1x128xi32, #tpu.memory_space<vmem>> -> memref<128xi32, #tpu.memory_space<vmem>>
    %dma_start3A_175 = arith.constant 0 : i32
    %dma_start3A_176 = arith.constant 0 : i32
    %dma_start3A_177 = tpu.memref_slice %arg3[%dma_start3A_175, %dma_start3A_176] : memref<1000000x128xf32, #tpu.memory_space<hbm>> -> memref<1000000x128xf32, #tpu.memory_space<hbm>>
    tpu.enqueue_indirect_dma source(%dma_start3A_177 : memref<1000000x128xf32, #tpu.memory_space<hbm>>) target(%arg12 : memref<128x128xf32, #tpu.memory_space<vmem>>) offsets(%dma_start3A_174 : memref<128xi32, #tpu.memory_space<vmem>>) semaphore(%arg16 : memref<!tpu.dma_semaphore, #tpu.memory_space<semaphore_mem>>)
    %scan3A_178 = arith.constant 0 : i32
    %scan3A_179 = arith.constant 0 : i32
    %scan3A_180 = arith.constant 49 : i32
    %scan3A_181 = arith.addi %scan3A_179, %scan3A_180 : i32
    %scan3A_182 = arith.constant 1 : i32
    scf.for %scan3A_300 = %scan3A_179 to %scan3A_181 step %scan3A_182  : i32 {
      %mul3A_301 = arith.constant 4 : i32
      %mul3A_302 = arith.muli %scan3A_300, %mul3A_301 : i32
      %add3A_303 = arith.constant 0 : i32
      %add3A_304 = arith.addi %mul3A_302, %add3A_303 : i32
      %dma_wait3A_305 = arith.constant 0 : i32
      %dma_wait3A_306 = arith.constant 0 : i32
      %dma_wait3A_307 = tpu.memref_slice %arg8[%dma_wait3A_305, %dma_wait3A_306] : memref<200x128xi32, #tpu.memory_space<vmem>> -> memref<1x128xi32, #tpu.memory_space<vmem>>
      %dma_wait3A_308 = tpu.memref_squeeze %dma_wait3A_307 : memref<1x128xi32, #tpu.memory_space<vmem>> -> memref<128xi32, #tpu.memory_space<vmem>>
      %dma_wait3A_309 = arith.constant 0 : i32
      %dma_wait3A_310 = arith.constant 0 : i32
      %dma_wait3A_311 = tpu.memref_slice %arg3[%dma_wait3A_309, %dma_wait3A_310] : memref<1000000x128xf32, #tpu.memory_space<hbm>> -> memref<1000000x128xf32, #tpu.memory_space<hbm>>
      tpu.wait_indirect_dma semaphore(%arg13 : memref<!tpu.dma_semaphore, #tpu.memory_space<semaphore_mem>>) src(%dma_wait3A_311 : memref<1000000x128xf32, #tpu.memory_space<hbm>>) dst(%arg9 : memref<128x128xf32, #tpu.memory_space<vmem>>)
      %mul3A_312 = arith.constant 128 : i32
      %mul3A_313 = arith.muli %add3A_304, %mul3A_312 : i32
      %add3A_314 = arith.addi %mul3A_2, %mul3A_313 : i32
      %dma_start3A_315 = arith.constant 0 : i32
      %dma_start3A_316 = arith.constant 0 : i32
      %dma_start3A_317 = tpu.memref_slice %arg9[%dma_start3A_315, %dma_start3A_316] : memref<128x128xf32, #tpu.memory_space<vmem>> -> memref<128x32xf32, #tpu.memory_space<vmem>>
      %dma_start3A_318 = arith.constant 32 : i32
      %dma_start3A_319 = tpu.memref_slice %arg6[%add3A_314, %dma_start3A_318] : memref<819200x128xf32, #tpu.memory_space<hbm>> -> memref<128x32xf32, #tpu.memory_space<hbm>>
      %dma_start3A_320 = arith.constant 32 : i32
      %dma_start3A_321 = tpu.memref_slice %arg6[%add3A_314, %dma_start3A_320] : memref<819200x128xf32, #tpu.memory_space<hbm>> -> memref<128x32xf32, #tpu.memory_space<hbm>>
      %dma_start3A_322 = arith.constant 0 : i32
      %dma_start3A_323 = arith.constant 0 : i32
      %dma_start3A_324 = tpu.memref_slice %arg9[%dma_start3A_322, %dma_start3A_323] : memref<128x128xf32, #tpu.memory_space<vmem>> -> memref<128x32xf32, #tpu.memory_space<vmem>>
      tpu.enqueue_dma source(%dma_start3A_324 : memref<128x32xf32, #tpu.memory_space<vmem>>) target(%dma_start3A_321 : memref<128x32xf32, #tpu.memory_space<hbm>>) target_semaphore(%arg17 : memref<!tpu.dma_semaphore, #tpu.memory_space<semaphore_mem>>)
      %mul3A_325 = arith.constant 4 : i32
      %mul3A_326 = arith.muli %scan3A_300, %mul3A_325 : i32
      %add3A_327 = arith.constant 1 : i32
      %add3A_328 = arith.addi %mul3A_326, %add3A_327 : i32
      %dma_wait3A_329 = arith.constant 0 : i32
      %dma_wait3A_330 = arith.constant 0 : i32
      %dma_wait3A_331 = tpu.memref_slice %arg8[%dma_wait3A_329, %dma_wait3A_330] : memref<200x128xi32, #tpu.memory_space<vmem>> -> memref<1x128xi32, #tpu.memory_space<vmem>>
      %dma_wait3A_332 = tpu.memref_squeeze %dma_wait3A_331 : memref<1x128xi32, #tpu.memory_space<vmem>> -> memref<128xi32, #tpu.memory_space<vmem>>
      %dma_wait3A_333 = arith.constant 0 : i32
      %dma_wait3A_334 = arith.constant 0 : i32
      %dma_wait3A_335 = tpu.memref_slice %arg3[%dma_wait3A_333, %dma_wait3A_334] : memref<1000000x128xf32, #tpu.memory_space<hbm>> -> memref<1000000x128xf32, #tpu.memory_space<hbm>>
      tpu.wait_indirect_dma semaphore(%arg14 : memref<!tpu.dma_semaphore, #tpu.memory_space<semaphore_mem>>) src(%dma_wait3A_335 : memref<1000000x128xf32, #tpu.memory_space<hbm>>) dst(%arg10 : memref<128x128xf32, #tpu.memory_space<vmem>>)
      %mul3A_336 = arith.constant 128 : i32
      %mul3A_337 = arith.muli %add3A_328, %mul3A_336 : i32
      %add3A_338 = arith.addi %mul3A_2, %mul3A_337 : i32
      %dma_start3A_339 = arith.constant 0 : i32
      %dma_start3A_340 = arith.constant 0 : i32
      %dma_start3A_341 = tpu.memref_slice %arg10[%dma_start3A_339, %dma_start3A_340] : memref<128x128xf32, #tpu.memory_space<vmem>> -> memref<128x32xf32, #tpu.memory_space<vmem>>
      %dma_start3A_342 = arith.constant 32 : i32
      %dma_start3A_343 = tpu.memref_slice %arg6[%add3A_338, %dma_start3A_342] : memref<819200x128xf32, #tpu.memory_space<hbm>> -> memref<128x32xf32, #tpu.memory_space<hbm>>
      %dma_start3A_344 = arith.constant 32 : i32
      %dma_start3A_345 = tpu.memref_slice %arg6[%add3A_338, %dma_start3A_344] : memref<819200x128xf32, #tpu.memory_space<hbm>> -> memref<128x32xf32, #tpu.memory_space<hbm>>
      %dma_start3A_346 = arith.constant 0 : i32
      %dma_start3A_347 = arith.constant 0 : i32
      %dma_start3A_348 = tpu.memref_slice %arg10[%dma_start3A_346, %dma_start3A_347] : memref<128x128xf32, #tpu.memory_space<vmem>> -> memref<128x32xf32, #tpu.memory_space<vmem>>
      tpu.enqueue_dma source(%dma_start3A_348 : memref<128x32xf32, #tpu.memory_space<vmem>>) target(%dma_start3A_345 : memref<128x32xf32, #tpu.memory_space<hbm>>) target_semaphore(%arg18 : memref<!tpu.dma_semaphore, #tpu.memory_space<semaphore_mem>>)
      %mul3A_349 = arith.constant 4 : i32
      %mul3A_350 = arith.muli %scan3A_300, %mul3A_349 : i32
      %add3A_351 = arith.constant 2 : i32
      %add3A_352 = arith.addi %mul3A_350, %add3A_351 : i32
      %dma_wait3A_353 = arith.constant 0 : i32
      %dma_wait3A_354 = arith.constant 0 : i32
      %dma_wait3A_355 = tpu.memref_slice %arg8[%dma_wait3A_353, %dma_wait3A_354] : memref<200x128xi32, #tpu.memory_space<vmem>> -> memref<1x128xi32, #tpu.memory_space<vmem>>
      %dma_wait3A_356 = tpu.memref_squeeze %dma_wait3A_355 : memref<1x128xi32, #tpu.memory_space<vmem>> -> memref<128xi32, #tpu.memory_space<vmem>>
      %dma_wait3A_357 = arith.constant 0 : i32
      %dma_wait3A_358 = arith.constant 0 : i32
      %dma_wait3A_359 = tpu.memref_slice %arg3[%dma_wait3A_357, %dma_wait3A_358] : memref<1000000x128xf32, #tpu.memory_space<hbm>> -> memref<1000000x128xf32, #tpu.memory_space<hbm>>
      tpu.wait_indirect_dma semaphore(%arg15 : memref<!tpu.dma_semaphore, #tpu.memory_space<semaphore_mem>>) src(%dma_wait3A_359 : memref<1000000x128xf32, #tpu.memory_space<hbm>>) dst(%arg11 : memref<128x128xf32, #tpu.memory_space<vmem>>)
      %mul3A_360 = arith.constant 128 : i32
      %mul3A_361 = arith.muli %add3A_352, %mul3A_360 : i32
      %add3A_362 = arith.addi %mul3A_2, %mul3A_361 : i32
      %dma_start3A_363 = arith.constant 0 : i32
      %dma_start3A_364 = arith.constant 0 : i32
      %dma_start3A_365 = tpu.memref_slice %arg11[%dma_start3A_363, %dma_start3A_364] : memref<128x128xf32, #tpu.memory_space<vmem>> -> memref<128x32xf32, #tpu.memory_space<vmem>>
      %dma_start3A_366 = arith.constant 32 : i32
      %dma_start3A_367 = tpu.memref_slice %arg6[%add3A_362, %dma_start3A_366] : memref<819200x128xf32, #tpu.memory_space<hbm>> -> memref<128x32xf32, #tpu.memory_space<hbm>>
      %dma_start3A_368 = arith.constant 32 : i32
      %dma_start3A_369 = tpu.memref_slice %arg6[%add3A_362, %dma_start3A_368] : memref<819200x128xf32, #tpu.memory_space<hbm>> -> memref<128x32xf32, #tpu.memory_space<hbm>>
      %dma_start3A_370 = arith.constant 0 : i32
      %dma_start3A_371 = arith.constant 0 : i32
      %dma_start3A_372 = tpu.memref_slice %arg11[%dma_start3A_370, %dma_start3A_371] : memref<128x128xf32, #tpu.memory_space<vmem>> -> memref<128x32xf32, #tpu.memory_space<vmem>>
      tpu.enqueue_dma source(%dma_start3A_372 : memref<128x32xf32, #tpu.memory_space<vmem>>) target(%dma_start3A_369 : memref<128x32xf32, #tpu.memory_space<hbm>>) target_semaphore(%arg19 : memref<!tpu.dma_semaphore, #tpu.memory_space<semaphore_mem>>)
      %mul3A_373 = arith.constant 4 : i32
      %mul3A_374 = arith.muli %scan3A_300, %mul3A_373 : i32
      %add3A_375 = arith.constant 3 : i32
      %add3A_376 = arith.addi %mul3A_374, %add3A_375 : i32
      %dma_wait3A_377 = arith.constant 0 : i32
      %dma_wait3A_378 = arith.constant 0 : i32
      %dma_wait3A_379 = tpu.memref_slice %arg8[%dma_wait3A_377, %dma_wait3A_378] : memref<200x128xi32, #tpu.memory_space<vmem>> -> memref<1x128xi32, #tpu.memory_space<vmem>>
      %dma_wait3A_380 = tpu.memref_squeeze %dma_wait3A_379 : memref<1x128xi32, #tpu.memory_space<vmem>> -> memref<128xi32, #tpu.memory_space<vmem>>
      %dma_wait3A_381 = arith.constant 0 : i32
      %dma_wait3A_382 = arith.constant 0 : i32
      %dma_wait3A_383 = tpu.memref_slice %arg3[%dma_wait3A_381, %dma_wait3A_382] : memref<1000000x128xf32, #tpu.memory_space<hbm>> -> memref<1000000x128xf32, #tpu.memory_space<hbm>>
      tpu.wait_indirect_dma semaphore(%arg16 : memref<!tpu.dma_semaphore, #tpu.memory_space<semaphore_mem>>) src(%dma_wait3A_383 : memref<1000000x128xf32, #tpu.memory_space<hbm>>) dst(%arg12 : memref<128x128xf32, #tpu.memory_space<vmem>>)
      %mul3A_384 = arith.constant 128 : i32
      %mul3A_385 = arith.muli %add3A_376, %mul3A_384 : i32
      %add3A_386 = arith.addi %mul3A_2, %mul3A_385 : i32
      %dma_start3A_387 = arith.constant 0 : i32
      %dma_start3A_388 = arith.constant 0 : i32
      %dma_start3A_389 = tpu.memref_slice %arg12[%dma_start3A_387, %dma_start3A_388] : memref<128x128xf32, #tpu.memory_space<vmem>> -> memref<128x32xf32, #tpu.memory_space<vmem>>
      %dma_start3A_390 = arith.constant 32 : i32
      %dma_start3A_391 = tpu.memref_slice %arg6[%add3A_386, %dma_start3A_390] : memref<819200x128xf32, #tpu.memory_space<hbm>> -> memref<128x32xf32, #tpu.memory_space<hbm>>
      %dma_start3A_392 = arith.constant 32 : i32
      %dma_start3A_393 = tpu.memref_slice %arg6[%add3A_386, %dma_start3A_392] : memref<819200x128xf32, #tpu.memory_space<hbm>> -> memref<128x32xf32, #tpu.memory_space<hbm>>
      %dma_start3A_394 = arith.constant 0 : i32
      %dma_start3A_395 = arith.constant 0 : i32
      %dma_start3A_396 = tpu.memref_slice %arg12[%dma_start3A_394, %dma_start3A_395] : memref<128x128xf32, #tpu.memory_space<vmem>> -> memref<128x32xf32, #tpu.memory_space<vmem>>
      tpu.enqueue_dma source(%dma_start3A_396 : memref<128x32xf32, #tpu.memory_space<vmem>>) target(%dma_start3A_393 : memref<128x32xf32, #tpu.memory_space<hbm>>) target_semaphore(%arg20 : memref<!tpu.dma_semaphore, #tpu.memory_space<semaphore_mem>>)
      %mul3A_397 = arith.constant 4 : i32
      %mul3A_398 = arith.muli %scan3A_300, %mul3A_397 : i32
      %add3A_399 = arith.constant 0 : i32
      %add3A_400 = arith.addi %mul3A_398, %add3A_399 : i32
      %dma_wait3A_401 = arith.constant 0 : i32
      %dma_wait3A_402 = arith.constant 0 : i32
      %dma_wait3A_403 = tpu.memref_slice %arg9[%dma_wait3A_401, %dma_wait3A_402] : memref<128x128xf32, #tpu.memory_space<vmem>> -> memref<128x32xf32, #tpu.memory_space<vmem>>
      %dma_wait3A_404 = arith.constant 32 : i32
      %dma_wait3A_405 = tpu.memref_slice %arg6[%mul3A_2, %dma_wait3A_404] : memref<819200x128xf32, #tpu.memory_space<hbm>> -> memref<128x32xf32, #tpu.memory_space<hbm>>
      %dma_wait3A_406 = arith.constant 32 : i32
      %dma_wait3A_407 = tpu.memref_slice %arg6[%mul3A_2, %dma_wait3A_406] : memref<819200x128xf32, #tpu.memory_space<hbm>> -> memref<128x32xf32, #tpu.memory_space<hbm>>
      %dma_wait3A_408 = arith.constant 0 : i32
      %dma_wait3A_409 = arith.constant 0 : i32
      %dma_wait3A_410 = tpu.memref_slice %arg9[%dma_wait3A_408, %dma_wait3A_409] : memref<128x128xf32, #tpu.memory_space<vmem>> -> memref<128x32xf32, #tpu.memory_space<vmem>>
      tpu.wait_dma2 semaphore(%arg17 : memref<!tpu.dma_semaphore, #tpu.memory_space<semaphore_mem>>) src(%dma_wait3A_410 : memref<128x32xf32, #tpu.memory_space<vmem>>) dst(%dma_wait3A_407 : memref<128x32xf32, #tpu.memory_space<hbm>>)
      %add3A_411 = arith.constant 4 : i32
      %add3A_412 = arith.addi %add3A_400, %add3A_411 : i32
      %dma_start3A_413 = arith.constant 0 : i32
      %dma_start3A_414 = tpu.memref_slice %arg8[%add3A_412, %dma_start3A_413] : memref<200x128xi32, #tpu.memory_space<vmem>> -> memref<1x128xi32, #tpu.memory_space<vmem>>
      %dma_start3A_415 = tpu.memref_squeeze %dma_start3A_414 : memref<1x128xi32, #tpu.memory_space<vmem>> -> memref<128xi32, #tpu.memory_space<vmem>>
      %dma_start3A_416 = arith.constant 0 : i32
      %dma_start3A_417 = arith.constant 0 : i32
      %dma_start3A_418 = tpu.memref_slice %arg3[%dma_start3A_416, %dma_start3A_417] : memref<1000000x128xf32, #tpu.memory_space<hbm>> -> memref<1000000x128xf32, #tpu.memory_space<hbm>>
      tpu.enqueue_indirect_dma source(%dma_start3A_418 : memref<1000000x128xf32, #tpu.memory_space<hbm>>) target(%arg9 : memref<128x128xf32, #tpu.memory_space<vmem>>) offsets(%dma_start3A_415 : memref<128xi32, #tpu.memory_space<vmem>>) semaphore(%arg13 : memref<!tpu.dma_semaphore, #tpu.memory_space<semaphore_mem>>)
      %mul3A_419 = arith.constant 4 : i32
      %mul3A_420 = arith.muli %scan3A_300, %mul3A_419 : i32
      %add3A_421 = arith.constant 1 : i32
      %add3A_422 = arith.addi %mul3A_420, %add3A_421 : i32
      %dma_wait3A_423 = arith.constant 0 : i32
      %dma_wait3A_424 = arith.constant 0 : i32
      %dma_wait3A_425 = tpu.memref_slice %arg10[%dma_wait3A_423, %dma_wait3A_424] : memref<128x128xf32, #tpu.memory_space<vmem>> -> memref<128x32xf32, #tpu.memory_space<vmem>>
      %dma_wait3A_426 = arith.constant 32 : i32
      %dma_wait3A_427 = tpu.memref_slice %arg6[%mul3A_2, %dma_wait3A_426] : memref<819200x128xf32, #tpu.memory_space<hbm>> -> memref<128x32xf32, #tpu.memory_space<hbm>>
      %dma_wait3A_428 = arith.constant 32 : i32
      %dma_wait3A_429 = tpu.memref_slice %arg6[%mul3A_2, %dma_wait3A_428] : memref<819200x128xf32, #tpu.memory_space<hbm>> -> memref<128x32xf32, #tpu.memory_space<hbm>>
      %dma_wait3A_430 = arith.constant 0 : i32
      %dma_wait3A_431 = arith.constant 0 : i32
      %dma_wait3A_432 = tpu.memref_slice %arg10[%dma_wait3A_430, %dma_wait3A_431] : memref<128x128xf32, #tpu.memory_space<vmem>> -> memref<128x32xf32, #tpu.memory_space<vmem>>
      tpu.wait_dma2 semaphore(%arg18 : memref<!tpu.dma_semaphore, #tpu.memory_space<semaphore_mem>>) src(%dma_wait3A_432 : memref<128x32xf32, #tpu.memory_space<vmem>>) dst(%dma_wait3A_429 : memref<128x32xf32, #tpu.memory_space<hbm>>)
      %add3A_433 = arith.constant 4 : i32
      %add3A_434 = arith.addi %add3A_422, %add3A_433 : i32
      %dma_start3A_435 = arith.constant 0 : i32
      %dma_start3A_436 = tpu.memref_slice %arg8[%add3A_434, %dma_start3A_435] : memref<200x128xi32, #tpu.memory_space<vmem>> -> memref<1x128xi32, #tpu.memory_space<vmem>>
      %dma_start3A_437 = tpu.memref_squeeze %dma_start3A_436 : memref<1x128xi32, #tpu.memory_space<vmem>> -> memref<128xi32, #tpu.memory_space<vmem>>
      %dma_start3A_438 = arith.constant 0 : i32
      %dma_start3A_439 = arith.constant 0 : i32
      %dma_start3A_440 = tpu.memref_slice %arg3[%dma_start3A_438, %dma_start3A_439] : memref<1000000x128xf32, #tpu.memory_space<hbm>> -> memref<1000000x128xf32, #tpu.memory_space<hbm>>
      tpu.enqueue_indirect_dma source(%dma_start3A_440 : memref<1000000x128xf32, #tpu.memory_space<hbm>>) target(%arg10 : memref<128x128xf32, #tpu.memory_space<vmem>>) offsets(%dma_start3A_437 : memref<128xi32, #tpu.memory_space<vmem>>) semaphore(%arg14 : memref<!tpu.dma_semaphore, #tpu.memory_space<semaphore_mem>>)
      %mul3A_441 = arith.constant 4 : i32
      %mul3A_442 = arith.muli %scan3A_300, %mul3A_441 : i32
      %add3A_443 = arith.constant 2 : i32
      %add3A_444 = arith.addi %mul3A_442, %add3A_443 : i32
      %dma_wait3A_445 = arith.constant 0 : i32
      %dma_wait3A_446 = arith.constant 0 : i32
      %dma_wait3A_447 = tpu.memref_slice %arg11[%dma_wait3A_445, %dma_wait3A_446] : memref<128x128xf32, #tpu.memory_space<vmem>> -> memref<128x32xf32, #tpu.memory_space<vmem>>
      %dma_wait3A_448 = arith.constant 32 : i32
      %dma_wait3A_449 = tpu.memref_slice %arg6[%mul3A_2, %dma_wait3A_448] : memref<819200x128xf32, #tpu.memory_space<hbm>> -> memref<128x32xf32, #tpu.memory_space<hbm>>
      %dma_wait3A_450 = arith.constant 32 : i32
      %dma_wait3A_451 = tpu.memref_slice %arg6[%mul3A_2, %dma_wait3A_450] : memref<819200x128xf32, #tpu.memory_space<hbm>> -> memref<128x32xf32, #tpu.memory_space<hbm>>
      %dma_wait3A_452 = arith.constant 0 : i32
      %dma_wait3A_453 = arith.constant 0 : i32
      %dma_wait3A_454 = tpu.memref_slice %arg11[%dma_wait3A_452, %dma_wait3A_453] : memref<128x128xf32, #tpu.memory_space<vmem>> -> memref<128x32xf32, #tpu.memory_space<vmem>>
      tpu.wait_dma2 semaphore(%arg19 : memref<!tpu.dma_semaphore, #tpu.memory_space<semaphore_mem>>) src(%dma_wait3A_454 : memref<128x32xf32, #tpu.memory_space<vmem>>) dst(%dma_wait3A_451 : memref<128x32xf32, #tpu.memory_space<hbm>>)
      %add3A_455 = arith.constant 4 : i32
      %add3A_456 = arith.addi %add3A_444, %add3A_455 : i32
      %dma_start3A_457 = arith.constant 0 : i32
      %dma_start3A_458 = tpu.memref_slice %arg8[%add3A_456, %dma_start3A_457] : memref<200x128xi32, #tpu.memory_space<vmem>> -> memref<1x128xi32, #tpu.memory_space<vmem>>
      %dma_start3A_459 = tpu.memref_squeeze %dma_start3A_458 : memref<1x128xi32, #tpu.memory_space<vmem>> -> memref<128xi32, #tpu.memory_space<vmem>>
      %dma_start3A_460 = arith.constant 0 : i32
      %dma_start3A_461 = arith.constant 0 : i32
      %dma_start3A_462 = tpu.memref_slice %arg3[%dma_start3A_460, %dma_start3A_461] : memref<1000000x128xf32, #tpu.memory_space<hbm>> -> memref<1000000x128xf32, #tpu.memory_space<hbm>>
      tpu.enqueue_indirect_dma source(%dma_start3A_462 : memref<1000000x128xf32, #tpu.memory_space<hbm>>) target(%arg11 : memref<128x128xf32, #tpu.memory_space<vmem>>) offsets(%dma_start3A_459 : memref<128xi32, #tpu.memory_space<vmem>>) semaphore(%arg15 : memref<!tpu.dma_semaphore, #tpu.memory_space<semaphore_mem>>)
      %mul3A_463 = arith.constant 4 : i32
      %mul3A_464 = arith.muli %scan3A_300, %mul3A_463 : i32
      %add3A_465 = arith.constant 3 : i32
      %add3A_466 = arith.addi %mul3A_464, %add3A_465 : i32
      %dma_wait3A_467 = arith.constant 0 : i32
      %dma_wait3A_468 = arith.constant 0 : i32
      %dma_wait3A_469 = tpu.memref_slice %arg12[%dma_wait3A_467, %dma_wait3A_468] : memref<128x128xf32, #tpu.memory_space<vmem>> -> memref<128x32xf32, #tpu.memory_space<vmem>>
      %dma_wait3A_470 = arith.constant 32 : i32
      %dma_wait3A_471 = tpu.memref_slice %arg6[%mul3A_2, %dma_wait3A_470] : memref<819200x128xf32, #tpu.memory_space<hbm>> -> memref<128x32xf32, #tpu.memory_space<hbm>>
      %dma_wait3A_472 = arith.constant 32 : i32
      %dma_wait3A_473 = tpu.memref_slice %arg6[%mul3A_2, %dma_wait3A_472] : memref<819200x128xf32, #tpu.memory_space<hbm>> -> memref<128x32xf32, #tpu.memory_space<hbm>>
      %dma_wait3A_474 = arith.constant 0 : i32
      %dma_wait3A_475 = arith.constant 0 : i32
      %dma_wait3A_476 = tpu.memref_slice %arg12[%dma_wait3A_474, %dma_wait3A_475] : memref<128x128xf32, #tpu.memory_space<vmem>> -> memref<128x32xf32, #tpu.memory_space<vmem>>
      tpu.wait_dma2 semaphore(%arg20 : memref<!tpu.dma_semaphore, #tpu.memory_space<semaphore_mem>>) src(%dma_wait3A_476 : memref<128x32xf32, #tpu.memory_space<vmem>>) dst(%dma_wait3A_473 : memref<128x32xf32, #tpu.memory_space<hbm>>)
      %add3A_477 = arith.constant 4 : i32
      %add3A_478 = arith.addi %add3A_466, %add3A_477 : i32
      %dma_start3A_479 = arith.constant 0 : i32
      %dma_start3A_480 = tpu.memref_slice %arg8[%add3A_478, %dma_start3A_479] : memref<200x128xi32, #tpu.memory_space<vmem>> -> memref<1x128xi32, #tpu.memory_space<vmem>>
      %dma_start3A_481 = tpu.memref_squeeze %dma_start3A_480 : memref<1x128xi32, #tpu.memory_space<vmem>> -> memref<128xi32, #tpu.memory_space<vmem>>
      %dma_start3A_482 = arith.constant 0 : i32
      %dma_start3A_483 = arith.constant 0 : i32
      %dma_start3A_484 = tpu.memref_slice %arg3[%dma_start3A_482, %dma_start3A_483] : memref<1000000x128xf32, #tpu.memory_space<hbm>> -> memref<1000000x128xf32, #tpu.memory_space<hbm>>
      tpu.enqueue_indirect_dma source(%dma_start3A_484 : memref<1000000x128xf32, #tpu.memory_space<hbm>>) target(%arg12 : memref<128x128xf32, #tpu.memory_space<vmem>>) offsets(%dma_start3A_481 : memref<128xi32, #tpu.memory_space<vmem>>) semaphore(%arg16 : memref<!tpu.dma_semaphore, #tpu.memory_space<semaphore_mem>>)
    }
    %scan3A_183 = arith.constant 49 : i32
    %dma_wait3A_184 = arith.constant 0 : i32
    %dma_wait3A_185 = arith.constant 0 : i32
    %dma_wait3A_186 = tpu.memref_slice %arg8[%dma_wait3A_184, %dma_wait3A_185] : memref<200x128xi32, #tpu.memory_space<vmem>> -> memref<1x128xi32, #tpu.memory_space<vmem>>
    %dma_wait3A_187 = tpu.memref_squeeze %dma_wait3A_186 : memref<1x128xi32, #tpu.memory_space<vmem>> -> memref<128xi32, #tpu.memory_space<vmem>>
    %dma_wait3A_188 = arith.constant 0 : i32
    %dma_wait3A_189 = arith.constant 0 : i32
    %dma_wait3A_190 = tpu.memref_slice %arg3[%dma_wait3A_188, %dma_wait3A_189] : memref<1000000x128xf32, #tpu.memory_space<hbm>> -> memref<1000000x128xf32, #tpu.memory_space<hbm>>
    tpu.wait_indirect_dma semaphore(%arg13 : memref<!tpu.dma_semaphore, #tpu.memory_space<semaphore_mem>>) src(%dma_wait3A_190 : memref<1000000x128xf32, #tpu.memory_space<hbm>>) dst(%arg9 : memref<128x128xf32, #tpu.memory_space<vmem>>)
    %add3A_191 = arith.constant 25088 : i32
    %add3A_192 = arith.addi %mul3A_2, %add3A_191 : i32
    %dma_start3A_193 = arith.constant 0 : i32
    %dma_start3A_194 = arith.constant 0 : i32
    %dma_start3A_195 = tpu.memref_slice %arg9[%dma_start3A_193, %dma_start3A_194] : memref<128x128xf32, #tpu.memory_space<vmem>> -> memref<128x32xf32, #tpu.memory_space<vmem>>
    %dma_start3A_196 = arith.constant 32 : i32
    %dma_start3A_197 = tpu.memref_slice %arg6[%add3A_192, %dma_start3A_196] : memref<819200x128xf32, #tpu.memory_space<hbm>> -> memref<128x32xf32, #tpu.memory_space<hbm>>
    %dma_start3A_198 = arith.constant 32 : i32
    %dma_start3A_199 = tpu.memref_slice %arg6[%add3A_192, %dma_start3A_198] : memref<819200x128xf32, #tpu.memory_space<hbm>> -> memref<128x32xf32, #tpu.memory_space<hbm>>
    %dma_start3A_200 = arith.constant 0 : i32
    %dma_start3A_201 = arith.constant 0 : i32
    %dma_start3A_202 = tpu.memref_slice %arg9[%dma_start3A_200, %dma_start3A_201] : memref<128x128xf32, #tpu.memory_space<vmem>> -> memref<128x32xf32, #tpu.memory_space<vmem>>
    tpu.enqueue_dma source(%dma_start3A_202 : memref<128x32xf32, #tpu.memory_space<vmem>>) target(%dma_start3A_199 : memref<128x32xf32, #tpu.memory_space<hbm>>) target_semaphore(%arg17 : memref<!tpu.dma_semaphore, #tpu.memory_space<semaphore_mem>>)
    %dma_wait3A_203 = arith.constant 0 : i32
    %dma_wait3A_204 = arith.constant 0 : i32
    %dma_wait3A_205 = tpu.memref_slice %arg8[%dma_wait3A_203, %dma_wait3A_204] : memref<200x128xi32, #tpu.memory_space<vmem>> -> memref<1x128xi32, #tpu.memory_space<vmem>>
    %dma_wait3A_206 = tpu.memref_squeeze %dma_wait3A_205 : memref<1x128xi32, #tpu.memory_space<vmem>> -> memref<128xi32, #tpu.memory_space<vmem>>
    %dma_wait3A_207 = arith.constant 0 : i32
    %dma_wait3A_208 = arith.constant 0 : i32
    %dma_wait3A_209 = tpu.memref_slice %arg3[%dma_wait3A_207, %dma_wait3A_208] : memref<1000000x128xf32, #tpu.memory_space<hbm>> -> memref<1000000x128xf32, #tpu.memory_space<hbm>>
    tpu.wait_indirect_dma semaphore(%arg14 : memref<!tpu.dma_semaphore, #tpu.memory_space<semaphore_mem>>) src(%dma_wait3A_209 : memref<1000000x128xf32, #tpu.memory_space<hbm>>) dst(%arg10 : memref<128x128xf32, #tpu.memory_space<vmem>>)
    %add3A_210 = arith.constant 25216 : i32
    %add3A_211 = arith.addi %mul3A_2, %add3A_210 : i32
    %dma_start3A_212 = arith.constant 0 : i32
    %dma_start3A_213 = arith.constant 0 : i32
    %dma_start3A_214 = tpu.memref_slice %arg10[%dma_start3A_212, %dma_start3A_213] : memref<128x128xf32, #tpu.memory_space<vmem>> -> memref<128x32xf32, #tpu.memory_space<vmem>>
    %dma_start3A_215 = arith.constant 32 : i32
    %dma_start3A_216 = tpu.memref_slice %arg6[%add3A_211, %dma_start3A_215] : memref<819200x128xf32, #tpu.memory_space<hbm>> -> memref<128x32xf32, #tpu.memory_space<hbm>>
    %dma_start3A_217 = arith.constant 32 : i32
    %dma_start3A_218 = tpu.memref_slice %arg6[%add3A_211, %dma_start3A_217] : memref<819200x128xf32, #tpu.memory_space<hbm>> -> memref<128x32xf32, #tpu.memory_space<hbm>>
    %dma_start3A_219 = arith.constant 0 : i32
    %dma_start3A_220 = arith.constant 0 : i32
    %dma_start3A_221 = tpu.memref_slice %arg10[%dma_start3A_219, %dma_start3A_220] : memref<128x128xf32, #tpu.memory_space<vmem>> -> memref<128x32xf32, #tpu.memory_space<vmem>>
    tpu.enqueue_dma source(%dma_start3A_221 : memref<128x32xf32, #tpu.memory_space<vmem>>) target(%dma_start3A_218 : memref<128x32xf32, #tpu.memory_space<hbm>>) target_semaphore(%arg18 : memref<!tpu.dma_semaphore, #tpu.memory_space<semaphore_mem>>)
    %dma_wait3A_222 = arith.constant 0 : i32
    %dma_wait3A_223 = arith.constant 0 : i32
    %dma_wait3A_224 = tpu.memref_slice %arg8[%dma_wait3A_222, %dma_wait3A_223] : memref<200x128xi32, #tpu.memory_space<vmem>> -> memref<1x128xi32, #tpu.memory_space<vmem>>
    %dma_wait3A_225 = tpu.memref_squeeze %dma_wait3A_224 : memref<1x128xi32, #tpu.memory_space<vmem>> -> memref<128xi32, #tpu.memory_space<vmem>>
    %dma_wait3A_226 = arith.constant 0 : i32
    %dma_wait3A_227 = arith.constant 0 : i32
    %dma_wait3A_228 = tpu.memref_slice %arg3[%dma_wait3A_226, %dma_wait3A_227] : memref<1000000x128xf32, #tpu.memory_space<hbm>> -> memref<1000000x128xf32, #tpu.memory_space<hbm>>
    tpu.wait_indirect_dma semaphore(%arg15 : memref<!tpu.dma_semaphore, #tpu.memory_space<semaphore_mem>>) src(%dma_wait3A_228 : memref<1000000x128xf32, #tpu.memory_space<hbm>>) dst(%arg11 : memref<128x128xf32, #tpu.memory_space<vmem>>)
    %add3A_229 = arith.constant 25344 : i32
    %add3A_230 = arith.addi %mul3A_2, %add3A_229 : i32
    %dma_start3A_231 = arith.constant 0 : i32
    %dma_start3A_232 = arith.constant 0 : i32
    %dma_start3A_233 = tpu.memref_slice %arg11[%dma_start3A_231, %dma_start3A_232] : memref<128x128xf32, #tpu.memory_space<vmem>> -> memref<128x32xf32, #tpu.memory_space<vmem>>
    %dma_start3A_234 = arith.constant 32 : i32
    %dma_start3A_235 = tpu.memref_slice %arg6[%add3A_230, %dma_start3A_234] : memref<819200x128xf32, #tpu.memory_space<hbm>> -> memref<128x32xf32, #tpu.memory_space<hbm>>
    %dma_start3A_236 = arith.constant 32 : i32
    %dma_start3A_237 = tpu.memref_slice %arg6[%add3A_230, %dma_start3A_236] : memref<819200x128xf32, #tpu.memory_space<hbm>> -> memref<128x32xf32, #tpu.memory_space<hbm>>
    %dma_start3A_238 = arith.constant 0 : i32
    %dma_start3A_239 = arith.constant 0 : i32
    %dma_start3A_240 = tpu.memref_slice %arg11[%dma_start3A_238, %dma_start3A_239] : memref<128x128xf32, #tpu.memory_space<vmem>> -> memref<128x32xf32, #tpu.memory_space<vmem>>
    tpu.enqueue_dma source(%dma_start3A_240 : memref<128x32xf32, #tpu.memory_space<vmem>>) target(%dma_start3A_237 : memref<128x32xf32, #tpu.memory_space<hbm>>) target_semaphore(%arg19 : memref<!tpu.dma_semaphore, #tpu.memory_space<semaphore_mem>>)
    %dma_wait3A_241 = arith.constant 0 : i32
    %dma_wait3A_242 = arith.constant 0 : i32
    %dma_wait3A_243 = tpu.memref_slice %arg8[%dma_wait3A_241, %dma_wait3A_242] : memref<200x128xi32, #tpu.memory_space<vmem>> -> memref<1x128xi32, #tpu.memory_space<vmem>>
    %dma_wait3A_244 = tpu.memref_squeeze %dma_wait3A_243 : memref<1x128xi32, #tpu.memory_space<vmem>> -> memref<128xi32, #tpu.memory_space<vmem>>
    %dma_wait3A_245 = arith.constant 0 : i32
    %dma_wait3A_246 = arith.constant 0 : i32
    %dma_wait3A_247 = tpu.memref_slice %arg3[%dma_wait3A_245, %dma_wait3A_246] : memref<1000000x128xf32, #tpu.memory_space<hbm>> -> memref<1000000x128xf32, #tpu.memory_space<hbm>>
    tpu.wait_indirect_dma semaphore(%arg16 : memref<!tpu.dma_semaphore, #tpu.memory_space<semaphore_mem>>) src(%dma_wait3A_247 : memref<1000000x128xf32, #tpu.memory_space<hbm>>) dst(%arg12 : memref<128x128xf32, #tpu.memory_space<vmem>>)
    %add3A_248 = arith.constant 25472 : i32
    %add3A_249 = arith.addi %mul3A_2, %add3A_248 : i32
    %dma_start3A_250 = arith.constant 0 : i32
    %dma_start3A_251 = arith.constant 0 : i32
    %dma_start3A_252 = tpu.memref_slice %arg12[%dma_start3A_250, %dma_start3A_251] : memref<128x128xf32, #tpu.memory_space<vmem>> -> memref<128x32xf32, #tpu.memory_space<vmem>>
    %dma_start3A_253 = arith.constant 32 : i32
    %dma_start3A_254 = tpu.memref_slice %arg6[%add3A_249, %dma_start3A_253] : memref<819200x128xf32, #tpu.memory_space<hbm>> -> memref<128x32xf32, #tpu.memory_space<hbm>>
    %dma_start3A_255 = arith.constant 32 : i32
    %dma_start3A_256 = tpu.memref_slice %arg6[%add3A_249, %dma_start3A_255] : memref<819200x128xf32, #tpu.memory_space<hbm>> -> memref<128x32xf32, #tpu.memory_space<hbm>>
    %dma_start3A_257 = arith.constant 0 : i32
    %dma_start3A_258 = arith.constant 0 : i32
    %dma_start3A_259 = tpu.memref_slice %arg12[%dma_start3A_257, %dma_start3A_258] : memref<128x128xf32, #tpu.memory_space<vmem>> -> memref<128x32xf32, #tpu.memory_space<vmem>>
    tpu.enqueue_dma source(%dma_start3A_259 : memref<128x32xf32, #tpu.memory_space<vmem>>) target(%dma_start3A_256 : memref<128x32xf32, #tpu.memory_space<hbm>>) target_semaphore(%arg20 : memref<!tpu.dma_semaphore, #tpu.memory_space<semaphore_mem>>)
    %dma_wait3A_260 = arith.constant 0 : i32
    %dma_wait3A_261 = arith.constant 0 : i32
    %dma_wait3A_262 = tpu.memref_slice %arg9[%dma_wait3A_260, %dma_wait3A_261] : memref<128x128xf32, #tpu.memory_space<vmem>> -> memref<128x32xf32, #tpu.memory_space<vmem>>
    %dma_wait3A_263 = arith.constant 32 : i32
    %dma_wait3A_264 = tpu.memref_slice %arg6[%mul3A_2, %dma_wait3A_263] : memref<819200x128xf32, #tpu.memory_space<hbm>> -> memref<128x32xf32, #tpu.memory_space<hbm>>
    %dma_wait3A_265 = arith.constant 32 : i32
    %dma_wait3A_266 = tpu.memref_slice %arg6[%mul3A_2, %dma_wait3A_265] : memref<819200x128xf32, #tpu.memory_space<hbm>> -> memref<128x32xf32, #tpu.memory_space<hbm>>
    %dma_wait3A_267 = arith.constant 0 : i32
    %dma_wait3A_268 = arith.constant 0 : i32
    %dma_wait3A_269 = tpu.memref_slice %arg9[%dma_wait3A_267, %dma_wait3A_268] : memref<128x128xf32, #tpu.memory_space<vmem>> -> memref<128x32xf32, #tpu.memory_space<vmem>>
    tpu.wait_dma2 semaphore(%arg17 : memref<!tpu.dma_semaphore, #tpu.memory_space<semaphore_mem>>) src(%dma_wait3A_269 : memref<128x32xf32, #tpu.memory_space<vmem>>) dst(%dma_wait3A_266 : memref<128x32xf32, #tpu.memory_space<hbm>>)
    %dma_wait3A_270 = arith.constant 0 : i32
    %dma_wait3A_271 = arith.constant 0 : i32
    %dma_wait3A_272 = tpu.memref_slice %arg10[%dma_wait3A_270, %dma_wait3A_271] : memref<128x128xf32, #tpu.memory_space<vmem>> -> memref<128x32xf32, #tpu.memory_space<vmem>>
    %dma_wait3A_273 = arith.constant 32 : i32
    %dma_wait3A_274 = tpu.memref_slice %arg6[%mul3A_2, %dma_wait3A_273] : memref<819200x128xf32, #tpu.memory_space<hbm>> -> memref<128x32xf32, #tpu.memory_space<hbm>>
    %dma_wait3A_275 = arith.constant 32 : i32
    %dma_wait3A_276 = tpu.memref_slice %arg6[%mul3A_2, %dma_wait3A_275] : memref<819200x128xf32, #tpu.memory_space<hbm>> -> memref<128x32xf32, #tpu.memory_space<hbm>>
    %dma_wait3A_277 = arith.constant 0 : i32
    %dma_wait3A_278 = arith.constant 0 : i32
    %dma_wait3A_279 = tpu.memref_slice %arg10[%dma_wait3A_277, %dma_wait3A_278] : memref<128x128xf32, #tpu.memory_space<vmem>> -> memref<128x32xf32, #tpu.memory_space<vmem>>
    tpu.wait_dma2 semaphore(%arg18 : memref<!tpu.dma_semaphore, #tpu.memory_space<semaphore_mem>>) src(%dma_wait3A_279 : memref<128x32xf32, #tpu.memory_space<vmem>>) dst(%dma_wait3A_276 : memref<128x32xf32, #tpu.memory_space<hbm>>)
    %dma_wait3A_280 = arith.constant 0 : i32
    %dma_wait3A_281 = arith.constant 0 : i32
    %dma_wait3A_282 = tpu.memref_slice %arg11[%dma_wait3A_280, %dma_wait3A_281] : memref<128x128xf32, #tpu.memory_space<vmem>> -> memref<128x32xf32, #tpu.memory_space<vmem>>
    %dma_wait3A_283 = arith.constant 32 : i32
    %dma_wait3A_284 = tpu.memref_slice %arg6[%mul3A_2, %dma_wait3A_283] : memref<819200x128xf32, #tpu.memory_space<hbm>> -> memref<128x32xf32, #tpu.memory_space<hbm>>
    %dma_wait3A_285 = arith.constant 32 : i32
    %dma_wait3A_286 = tpu.memref_slice %arg6[%mul3A_2, %dma_wait3A_285] : memref<819200x128xf32, #tpu.memory_space<hbm>> -> memref<128x32xf32, #tpu.memory_space<hbm>>
    %dma_wait3A_287 = arith.constant 0 : i32
    %dma_wait3A_288 = arith.constant 0 : i32
    %dma_wait3A_289 = tpu.memref_slice %arg11[%dma_wait3A_287, %dma_wait3A_288] : memref<128x128xf32, #tpu.memory_space<vmem>> -> memref<128x32xf32, #tpu.memory_space<vmem>>
    tpu.wait_dma2 semaphore(%arg19 : memref<!tpu.dma_semaphore, #tpu.memory_space<semaphore_mem>>) src(%dma_wait3A_289 : memref<128x32xf32, #tpu.memory_space<vmem>>) dst(%dma_wait3A_286 : memref<128x32xf32, #tpu.memory_space<hbm>>)
    %dma_wait3A_290 = arith.constant 0 : i32
    %dma_wait3A_291 = arith.constant 0 : i32
    %dma_wait3A_292 = tpu.memref_slice %arg12[%dma_wait3A_290, %dma_wait3A_291] : memref<128x128xf32, #tpu.memory_space<vmem>> -> memref<128x32xf32, #tpu.memory_space<vmem>>
    %dma_wait3A_293 = arith.constant 32 : i32
    %dma_wait3A_294 = tpu.memref_slice %arg6[%mul3A_2, %dma_wait3A_293] : memref<819200x128xf32, #tpu.memory_space<hbm>> -> memref<128x32xf32, #tpu.memory_space<hbm>>
    %dma_wait3A_295 = arith.constant 32 : i32
    %dma_wait3A_296 = tpu.memref_slice %arg6[%mul3A_2, %dma_wait3A_295] : memref<819200x128xf32, #tpu.memory_space<hbm>> -> memref<128x32xf32, #tpu.memory_space<hbm>>
    %dma_wait3A_297 = arith.constant 0 : i32
    %dma_wait3A_298 = arith.constant 0 : i32
    %dma_wait3A_299 = tpu.memref_slice %arg12[%dma_wait3A_297, %dma_wait3A_298] : memref<128x128xf32, #tpu.memory_space<vmem>> -> memref<128x32xf32, #tpu.memory_space<vmem>>
    tpu.wait_dma2 semaphore(%arg20 : memref<!tpu.dma_semaphore, #tpu.memory_space<semaphore_mem>>) src(%dma_wait3A_299 : memref<128x32xf32, #tpu.memory_space<vmem>>) dst(%dma_wait3A_296 : memref<128x32xf32, #tpu.memory_space<hbm>>)
    return
  }
}

module attributes {stable_mosaic.version = 14 : i64} {
  func.func @_twiden_body(%arg0: i32, %arg1: memref<32x4096xf32, #tpu.memory_space<vmem>>, %arg2: memref<32x4096xf32, #tpu.memory_space<vmem>>, %arg3: memref<4096x128xf32, #tpu.memory_space<vmem>>, %arg4: memref<4096x128xf32, #tpu.memory_space<vmem>>) attributes {dimension_semantics = [#tpu.dimension_semantics<arbitrary>], iteration_bounds = array<i64: 245>, scalar_prefetch = 0 : i64, scratch_operands = 0 : i64, tpu.core_type = #tpu.core_type<tc>, window_params = [{transform_indices = @transform_0, window_bounds = array<i64: 32, 4096>}, {transform_indices = @transform_1, window_bounds = array<i64: 32, 4096>}, {transform_indices = @transform_2, window_bounds = array<i64: 4096, 128>}, {transform_indices = @transform_3, window_bounds = array<i64: 4096, 128>}]} {
    %iota3A = tpu.iota {dimensions = array<i32: 0>} : vector<32x128xi32>
    %iota3A_0 = tpu.iota {dimensions = array<i32: 1>} : vector<32x128xi32>
    %eq3A = arith.cmpi eq, %iota3A, %iota3A_0 : vector<32x128xi32>
    %convert_element_type3A = arith.extui %eq3A : vector<32x128xi1> to vector<32x128xi32>
    %convert_element_type3A_1 = arith.sitofp %convert_element_type3A : vector<32x128xi32> to vector<32x128xf32>
    %get3A = arith.constant 0 : index
    %get3A_2 = arith.constant 0 : index
    %get3A_3 = vector.load %arg1[%get3A, %get3A_2] : memref<32x4096xf32, #tpu.memory_space<vmem>>, vector<32x4096xf32>
    %dot_general3A = arith.constant dense<0.000000e+00> : vector<4096x128xf32>
    %dot_general3A_4 = tpu.matmul %get3A_3, %convert_element_type3A_1, %dot_general3A {dimension_numbers = #tpu.dot_dimension_numbers<[0], [0], [1], [1], [0, 1, 1, 1], [], []>, transpose_lhs_hint = false} : vector<32x4096xf32>, vector<32x128xf32>, vector<4096x128xf32> -> vector<4096x128xf32>
    %swap3A = arith.constant 0 : index
    %swap3A_5 = arith.constant 0 : index
    %swap3A_6 = vector.load %arg3[%swap3A, %swap3A_5] : memref<4096x128xf32, #tpu.memory_space<vmem>>, vector<4096x128xf32>
    tpu.vector_store %arg3[%swap3A, %swap3A_5], %dot_general3A_4 {strides = array<i32>} : memref<4096x128xf32, #tpu.memory_space<vmem>>, vector<4096x128xf32>,
    %get3A_7 = arith.constant 0 : index
    %get3A_8 = arith.constant 0 : index
    %get3A_9 = vector.load %arg2[%get3A_7, %get3A_8] : memref<32x4096xf32, #tpu.memory_space<vmem>>, vector<32x4096xf32>
    %dot_general3A_10 = arith.constant dense<0.000000e+00> : vector<4096x128xf32>
    %dot_general3A_11 = tpu.matmul %get3A_9, %convert_element_type3A_1, %dot_general3A_10 {dimension_numbers = #tpu.dot_dimension_numbers<[0], [0], [1], [1], [0, 1, 1, 1], [], []>, transpose_lhs_hint = false} : vector<32x4096xf32>, vector<32x128xf32>, vector<4096x128xf32> -> vector<4096x128xf32>
    %swap3A_12 = arith.constant 0 : index
    %swap3A_13 = arith.constant 0 : index
    %swap3A_14 = vector.load %arg4[%swap3A_12, %swap3A_13] : memref<4096x128xf32, #tpu.memory_space<vmem>>, vector<4096x128xf32>
    tpu.vector_store %arg4[%swap3A_12, %swap3A_13], %dot_general3A_11 {strides = array<i32>} : memref<4096x128xf32, #tpu.memory_space<vmem>>, vector<4096x128xf32>,
    return
  }
  func.func @transform_0(%arg0: i32) -> (i32, i32) {
    %c0_i32 = arith.constant 0 : i32
    %c0_i32_0 = arith.constant 0 : i32
    return %c0_i32, %arg0 : i32, i32
  }
  func.func @transform_1(%arg0: i32) -> (i32, i32) {
    %c0_i32 = arith.constant 0 : i32
    %c0_i32_0 = arith.constant 0 : i32
    return %c0_i32, %arg0 : i32, i32
  }
  func.func @transform_2(%arg0: i32) -> (i32, i32) {
    %c0_i32 = arith.constant 0 : i32
    %c0_i32_0 = arith.constant 0 : i32
    return %arg0, %c0_i32 : i32, i32
  }
  func.func @transform_3(%arg0: i32) -> (i32, i32) {
    %c0_i32 = arith.constant 0 : i32
    %c0_i32_0 = arith.constant 0 : i32
    return %arg0, %c0_i32 : i32, i32
  }
}

module attributes {stable_mosaic.version = 14 : i64} {
  func.func @_mask_body(%arg0: memref<200x4096xi32, #tpu.memory_space<vmem>>, %arg1: memref<200x4096xi32, #tpu.memory_space<vmem>>) attributes {dimension_semantics = [], scalar_prefetch = 0 : i64, scratch_operands = 0 : i64, tpu.core_type = #tpu.core_type<tc>} {
    %get3A = arith.constant 0 : index
    %get3A_0 = arith.constant 0 : index
    %get3A_1 = vector.load %arg0[%get3A, %get3A_0] : memref<200x4096xi32, #tpu.memory_space<vmem>>, vector<200x4096xi32>
    %ne3A = arith.constant 0 : i32
    %ne3A_2 = vector.broadcast %ne3A : i32 to vector<200x4096xi32>
    %ne3A_3 = arith.cmpi ne, %get3A_1, %ne3A_2 : vector<200x4096xi32>
    %swap3A = arith.constant 0 : index
    %swap3A_4 = arith.constant 0 : index
    %swap3A_5 = vector.load %arg1[%swap3A, %swap3A_4] : memref<200x4096xi32, #tpu.memory_space<vmem>>, vector<200x4096xi32>
    %swap3A_6 = arith.extui %ne3A_3 : vector<200x4096xi1> to vector<200x4096xi32>
    %swap3A_7 = arith.constant dense<0> : vector<200x4096xi32>
    %swap3A_8 = arith.cmpi ne, %swap3A_5, %swap3A_7 : vector<200x4096xi32>
    tpu.vector_store %arg1[%swap3A, %swap3A_4], %swap3A_6 {strides = array<i32>} : memref<200x4096xi32, #tpu.memory_space<vmem>>, vector<200x4096xi32>,
    return
  }
}

</mosaic_0001>

<sc_bundles>
// kernel: kernel.5.cloned.1.call-start
scs
__scs_entry_jumppad:
0x0: {  	(pc) =	sbr.rel $0x88, $3  }
0x1: {  	(tag) =	ssettag $0x0;
	lr =	simm.s32 $0x1  }
0x2: {  	[smem:$0x3F9E] =	sst lr;
	_ =	strace $0xD0000000  }
0x3: {  	_ = 	snop  }
0x4: {  	_ = 	snop  }
0x5: {  	_ = 	snop  }
0x6: {  	_ = 	snop  }
0x7: {  	_ = 	snop  }
__scs_overlays_trampoline_lowered:
0x8: {  	[smem:$0x3FAD] =	sst s0  }
0x9: {  	[smem:$0x3FAE] =	sst s1  }
0xa: {  	[smem:$0x3FAF] =	sst s2  }
0xb: {  	[smem:$0x3FB0] =	sst s3  }
0xc: {  	[smem:$0x3FB1] =	sst s4  }
0xd: {  	[smem:$0x3FB2] =	sst s5  }
0xe: {  	[smem:$0x3FB3] =	sst s6  }
0xf: {  	[smem:$0x3FB4] =	sst s7  }
0x10: {  	[smem:$0x3FB5] =	sst s8  }
0x11: {  	[smem:$0x3FB6] =	sst s9;
	s0 =	simm.s32 @!p0 $0x0  }
0x12: {  	s1 =	sld [smem:$0x3F9C];
	s0 =	simm.s32 @p0 $0x1  }
0x13: {  	[smem:$0x3FB7] =	sst s0;
	s0 =	simm.s32 @!p1 $0x0  }
0x14: {  	s2 =	sld [smem:$0x3F9B];
	s0 =	simm.s32 @p1 $0x1  }
0x15: {  	[smem:$0x3FB8] =	sst s0;
	s0 =	simm.s32 @!p2 $0x0  }
0x16: {  	s3 =	sld [smem:$0x3FDB];
	s0 =	simm.s32 @p2 $0x1  }
0x17: {  	s4 =	simm.s32 $0x1BF5;
	[smem:$0x3FBA] =	sst s0  }
0x18: {  	s0 =	sld [smem:$0x3F9D];
	_ =	swait.ge [sflag:s4], $0x0  }
0x19: {  	s7 =	sld [smem:$0x3F9E]  }
0x1a: {  	s8 =	sadd.s32 $0xFFFFE003, lr  }
0x1b: {  	s9 =	sadd.s32 $0xFFFFFEF7, lr;
	s5 =	simm.s32 $0xFFFFFFFF;
	p2 =	slt.u32 s8, $0xFFFFF086  }
0x1c: {  	p1 =	slt.u32 s9, $0xF7A;
	s5 =	simm.s32 @!p2 $0x0  }
0x1d: {  	s5 =	simm.s32 @p1 $0x1;
	p0 =	seq.s32 s7, s2  }
0x1e: {  	s7 =	smul.u32 @!p0 $0xF7A, s2;
	p2 =	seq.s32 @!p0 s5, $0x0  }
0x1f: {  	s9 =	smul.u32 $0xF7A, s1;
	s8 =	simm.s32 @!p0 $0x1BF5;
	p2 =	por !p2, p0  }
0x20: {  	[sflag:s8] =	ssyncset.s32 @!p0 $0xFFFFF086;
	s6 =	sadd.s32 @!p0 s3, s7;
	s7 =	simm.s32 @!p0 $0x108  }
0x21: {  	s3 =	sadd.s32 s3, s9;
	s6 =	sadd.s32 @!p0 $0x88, s6;
	s7 =	simm.s32 @p2 $0x1082  }
0x22: {  	[simem:s7], [sflag:s8] =	dma.local @!p0 [hbm:s6], $0xF7A  }
0x23: {  	s9 =	sor.u32 $0xD0000000, s2;
	s6 =	simm.s32 $0x108;
	_ =	swait.ge @!p0 [sflag:s8], $0x0  }
0x24: {  	s3 =	sadd.s32 $0x88, s3;
	s6 =	simm.s32 @!p1 $0x1082;
	[sflag:s4] =	ssyncset.s32 $0xFFFFF086  }
0x25: {  	[simem:s6], [sflag:s4] =	dma.local [hbm:s3], $0xF7A  }
0x26: {  	[smem:$0x3F9E] =	sst s1;
	(tag) =	ssettag s2;
	_ =	strace s9  }
0x27: {  	s1 =	sld [smem:$0x3FAE]  }
0x28: {  	s2 =	sld [smem:$0x3FAF]  }
0x29: {  	s4 =	sld [smem:$0x3FB1]  }
0x2a: {  	p0 =	seq.s32 s5, $0x0;
	s5 =	sld [smem:$0x3FB2]  }
0x2b: {  	s6 =	sld [smem:$0x3FB3]  }
0x2c: {  	s7 =	sld [smem:$0x3FB4]  }
0x2d: {  	s3 =	simm.s32 $0x108;
	s8 =	sld [smem:$0x3FB5]  }
0x2e: {  	s3 =	simm.s32 @!p0 $0x1082;
	s9 =	sld [smem:$0x3FB6]  }
0x2f: {  	lr =	sadd.s32 s0, s3;
	s0 =	sld [smem:$0x3FAD]  }
0x30: {  	s3 =	sld [smem:$0x3FB0]  }
0x31: {  	[smem:$0x3FB9] =	sst s10  }
0x32: {  	s10 =	sld [smem:$0x3FB7];
	_ =	sdelay $0x3  }
0x33: {  	p0 =	seq.s32 s10, $0x1;
	s10 =	sld [smem:$0x3FB9];
	_ =	sdelay $0x3  }
0x34: {  	[smem:$0x3FB9] =	sst s10  }
0x35: {  	s10 =	sld [smem:$0x3FB8];
	_ =	sdelay $0x3  }
0x36: {  	p1 =	seq.s32 s10, $0x1;
	s10 =	sld [smem:$0x3FB9];
	_ =	sdelay $0x3  }
0x37: {  	[smem:$0x3FB9] =	sst s10  }
0x38: {  	s10 =	sld [smem:$0x3FBA]  }
0x39: {  	_ = 	snop;
	(pc) =	sbr.ind lr, $3  }
0x3a: {  	_ = 	snop  }
0x3b: {  	_ = 	snop  }
0x3c: {  	p2 =	seq.s32 s10, $0x1;
	s10 =	sld [smem:$0x3FB9]  }
0x3d: {  	_ =	shalt  }
0x3e: {  	_ =	shalt  }
0x3f: {  	_ =	shalt  }
0x40: {  	_ =	shalt  }
0x41: {  	_ =	shalt  }
0x42: {  	_ =	shalt  }
0x43: {  	_ =	shalt  }
0x44: {  	_ =	shalt  }
0x45: {  	_ =	shalt  }
0x46: {  	_ =	shalt  }
0x47: {  	_ =	shalt  }
0x48: {  	_ =	shalt  }
0x49: {  	_ =	shalt  }
0x4a: {  	_ =	shalt  }
0x4b: {  	_ =	shalt  }
0x4c: {  	_ =	shalt  }
0x4d: {  	_ =	shalt  }
0x4e: {  	_ =	shalt  }
0x4f: {  	_ =	shalt  }
0x50: {  	_ =	shalt  }
0x51: {  	_ =	shalt  }
0x52: {  	_ =	shalt  }
0x53: {  	_ =	shalt  }
0x54: {  	_ =	shalt  }
0x55: {  	_ =	shalt  }
0x56: {  	_ =	shalt  }
0x57: {  	_ =	shalt  }
0x58: {  	_ =	shalt  }
0x59: {  	_ =	shalt  }
0x5a: {  	_ =	shalt  }
0x5b: {  	_ =	shalt  }
0x5c: {  	_ =	shalt  }
0x5d: {  	_ =	shalt  }
0x5e: {  	_ =	shalt  }
0x5f: {  	_ =	shalt  }
0x60: {  	_ =	shalt  }
0x61: {  	_ =	shalt  }
0x62: {  	_ =	shalt  }
0x63: {  	_ =	shalt  }
0x64: {  	_ =	shalt  }
0x65: {  	_ =	shalt  }
0x66: {  	_ =	shalt  }
0x67: {  	_ =	shalt  }
0x68: {  	_ =	shalt  }
0x69: {  	_ =	shalt  }
0x6a: {  	_ =	shalt  }
0x6b: {  	_ =	shalt  }
0x6c: {  	_ =	shalt  }
0x6d: {  	_ =	shalt  }
0x6e: {  	_ =	shalt  }
0x6f: {  	_ =	shalt  }
0x70: {  	_ =	shalt  }
0x71: {  	_ =	shalt  }
0x72: {  	_ =	shalt  }
0x73: {  	_ =	shalt  }
0x74: {  	_ =	shalt  }
0x75: {  	_ =	shalt  }
0x76: {  	_ =	shalt  }
0x77: {  	_ =	shalt  }
0x78: {  	_ =	shalt  }
0x79: {  	_ =	shalt  }
0x7a: {  	_ =	shalt  }
0x7b: {  	_ =	shalt  }
0x7c: {  	_ =	shalt  }
0x7d: {  	_ =	shalt  }
0x7e: {  	_ =	shalt  }
0x7f: {  	_ =	shalt  }
0x80: {  	_ =	shalt  }
0x81: {  	_ =	shalt  }
0x82: {  	_ =	shalt  }
0x83: {  	_ =	shalt  }
0x84: {  	_ =	shalt  }
0x85: {  	_ =	shalt  }
0x86: {  	_ =	shalt  }
0x87: {  	_ =	shalt  }
.Lfunc_end0:
.L_simem_size_0:
called_computation.1_lowered:
.L_overlay_start_0:
0x88: {  	s2 =	sld [smem:$0x3FD9]  }
0x89: {  	s3 =	sld [smem:$0x3FFE];
	_ =	sdelay $0x1  }
0x8a: {  	s1 =	srdreg.scid  }
0x8b: {  	s0 =	sand.u32 $0x1, s1  }
0x8c: {  	s14 =	sshll.u32 s0, $0xA;
	s2 =	sadd.s32 s3, s2  }
0x8d: {  	s2 =	sadd.s32 s2, s14  }
0x8e: {  	[smem:$0x3FC5] =	sst s2  }
0x8f: {  	_ = 	snop  }
0x90: {  	s2 =	sld [smem:$0x3FD0];
	_ =	sdelay $0x2  }
0x91: {  	s15 =	simm.s32 $0xA;
	s4 =	simm.s32 $0x10  }
0x92: {  	[smem:s4], [sflag:s15] =	dma.local [hbm:s2], $0x1  }
0x93: {  	_ =	swait.eq [sflag:s15], $0x1  }
0x94: {  	[sflag:s15] =	ssyncset.done $0x0  }
0x95: {  	[sflag:s15] =	ssyncadd.s32 $0xFFFFFFFF  }
0x96: {  	s16 =	sld [smem:$0x10];
	(tm) =	ssettm $0x1  }
0x97: {  	s17 =	sld [smem:$0x3FFB];
	_ =	sdelay $0x3  }
0x98: {  	_ =	strace s17  }
0x99: {  	s3 =	sld [smem:$0x3FFC];
	_ =	sdelay $0x3  }
0x9a: {  	_ =	strace s3  }
0x9b: {  	s3 =	sld [smem:$0x3FFD];
	_ =	sdelay $0x3  }
0x9c: {  	_ =	strace s3  }
0x9d: {  	_ =	strace $0x8FFFFFFF  }
0x9e: {  	s18 =	sld [smem:$0x3FDB];
	_ =	sdelay $0x1  }
0x9f: {  	s19 =	simm.s32 $_scs_section_size  }
0xa0: {  	s5 =	simm.s32 $_size__tile_overlayer_lowered;
	s6 =	simm.s32 $_tile_overlayer_lowered  }
0xa1: {  	s22 =	simm.s32 $0x1BFF;
	s21 =	sshll.u32 s6, $0x1;
	s3 =	sadd.s32 s19, s18  }
0xa2: {  	s7 =	simm.s32 $0x0;
	s20 =	sshll.u32 s5, $0x1;
	s5 =	sadd.s32 s21, s3  }
0xa3: {  	[timem:s7], [sflag:s22] =	dma.local [hbm:s5], s20  }
0xa4: {  	_ =	swait.ge [sflag:s22], s20  }
0xa5: {  	s4 =	ssub.s32 $0x0, s20;
	[sflag:s22] =	ssyncset.done $0x0  }
0xa6: {  	[sflag:s22] =	ssyncadd.s32 s4;
	_ =	sdelay $0x1  }
0xa7: {  	s23 =	simm.s32 $0x1B8B  }
0xa8: {  	_ =	swait.ge [sflag:s23], $0x1  }
0xa9: {  	[sflag:s23] =	ssyncset.done $0x0  }
0xaa: {  	s25 =	simm.s32 $0x1B8E;
	s24 =	sld [smem:$0x3FFE];
	[sflag:s23] =	ssyncadd.s32 $0xFFFFFFFF  }
0xab: {  	s26 =	simm.s32 $execute0_lowered;
	[smem:$0x3FD2] =	sst s25  }
0xac: {  	s5 =	sshll.u32 s26, $0x1;
	_ =	strace $0x80000046;
	[dreg:$0x1] =	wrdreg $0xFFFFFFFF  }
0xad: {  	s28 =	simm.s32 $_size_execute0_lowered;
	s3 =	sadd.s32 s3, s5;
	[dreg:$0x0] =	wrdreg $0x0  }
0xae: {  	s5 =	sshll.u32 s28, $0x1;
	[dreg:$0x2] =	wrdreg s3  }
0xaf: {  	[dreg:$0x3] =	wrdreg s5  }
0xb0: {  	[dreg:$0x4] =	wrdreg $0xC0  }
0xb1: {  	_ =	task [dreg:s7], $0x5FFFF  }
0xb2: {  	[dreg:$0x1] =	wrdreg $0xFFFFFFFF  }
0xb3: {  	[dreg:$0x0] =	wrdreg $0x60  }
0xb4: {  	[dreg:$0x2] =	wrdreg s24  }
0xb5: {  	[dreg:$0x3] =	wrdreg s16  }
0xb6: {  	[dreg:$0x4] =	wrdreg $0x9  }
0xb7: {  	_ =	task.clear_ibuf [dreg:s7], $0x5FFFF;
	_ =	strace $0x90000046  }
0xb8: {  	s29 =	simm.s32 $0x9;
	_ =	strace $0x80000048  }
0xb9: {  	_ =	swait.ge [sflag:s29], $0x1  }
0xba: {  	[sflag:s29] =	ssyncadd.s32 $0xFFFFFFFF  }
0xbb: {  	_ =	strace $0x90000048  }
0xbc: {  	_ =	sfence  }
0xbd: {  	s30 =	sld [smem:$0x0];
	_ =	sdelay $0x2  }
0xbe: {  	s31 =	sshll.u32 s1, $0xD;
	s1 =	sshrl.u32 s1, $0x2  }
0xbf: {  	s3 =	sand.u32 $0x4000, s31;
	s1 =	sadd.s32 s1, s30  }
0xc0: {  	s0 =	sor.u32 s3, s0;
	s1 =	sshll.u32 s1, $0x11  }
0xc1: {  	s0 =	sor.u32 s1, s0  }
0xc2: {  	s0 =	sadd.s32 $0x8F2B, s0  }
0xc3: {  	[sflag:s0] =	ssyncadd.remote.s32 $0x1  }
0xc4: {  	_ =	sfence.sel $0xFFFF  }
0xc5: {  	[dreg:$0x0] =	wrdreg $0xFFFFFFFF;
	(pc) =	sbr.abs _section_cstart, $3  }
0xc6: {  	[dreg:$0x1] =	wrdreg $0xFFFFFFFF  }
0xc7: {  	_ =	task.clear_ibuf [dreg:s7], $0x2FFFF;
	_ =	strace $0x9FFFFFFF  }
0xc8: {  	(tm) =	ssettm $0x7FFFFFFF  }
0xc9: {  	_ =	shalt  }
tec
execute0_lowered:
.L_overlay_start_1:
0x0: {  	(tag) =	ssettag $0x1  }
0x1: {  	s0 =	rddreg [dreg:$0x0]  }
0x2: {  	s1 =	rddreg [dreg:$0x1]  }
0x3: {  	s3 =	srdreg.scid;
	s4 =	stileid.u32;
	s2 =	simm.s32 $0x0  }
0x4: {  	s28 =	simm.s32 $0x3;
	s30 =	simm.s32 $0x4;
	s21 =	simm.s32 $0x8  }
0x5: {  	s5 =	sand.u32 $0x1, s3;
	s23 =	sshll.u32 s4, $0x1;
	[smem:$0x7FF] =	sst s2  }
0x6: {  	s3 =	sadd.s32 $0x19E00, s0;
	s4 =	sadd.s32 $0xF5C200, s0;
	s6 =	sor.u32 s5, s23  }
0x7: {  	s16 =	sadd.s32 $0x1E9E604, s0;
	s5 =	ssub.s32 $0x2, s5;
	s7 =	smul.u32 $0x6400, s6  }
0x8: {  	_ =	strace $0x80000047;
	s11 =	smul.u32 $0x320000, s6;
	s10 =	sshrl.u32 s5, $0x1  }
0x9: {  	s23 =	simm.s32 $0x7;
	s6 =	sadd.s32 $0x1E9E600, s0;
	s5 =	ssub.s32 s5, s10  }
0xa: {  	s8 =	sshrl.u32 s7, $0x3;
	s10 =	smov.u32 s11;
	s24 =	sshrl.u32 s11, $0x3  }
0xb: {  	s26 =	sor.u32 $0x80, s7;
	s29 =	sor.u32 $0x100, s7;
	s11 =	sor.u32 $0x180, s7  }
0xc: {  	s31 =	smax.u32 s5, $0x1;
	s7 =	simm.s32 $0x5;
	[dreg:$0x5] =	wrdreg s26  }
0xd: {  	s9 =	sadd.s32 s8, s0;
	s1 =	sadd.s32 s1, s8;
	[dreg:$0x6] =	wrdreg s29  }
0xe: {  	[dreg:$0x7] =	wrdreg s31;
	s0 =	simm.s32 $0x1;
	s8 =	simm.s32 $0x6  }
0xf: {  	[dreg:$0x3] =	wrdreg s1;
	s25 =	sadd.s32 $0xE00, s9;
	s1 =	sadd.s32 s6, s24  }
0x10: {  	s24 =	simm.s32 $0x80;
	s9 =	simm.s32 $0x0;
	[dreg:$0x4] =	wrdreg s25  }
0x11: {  	s12 =	sadd.s32 $0x62000, s1;
	s13 =	sadd.s32 $0x62800, s1;
	s14 =	sadd.s32 $0x63000, s1  }
0x12: {  	s15 =	sadd.s32 $0x63800, s1;
	s17 =	sadd.s32 $0x62004, s1;
	s18 =	sadd.s32 $0x62804, s1  }
0x13: {  	s19 =	sadd.s32 $0x63004, s1;
	s20 =	sadd.s32 $0x63804, s1;
	s1 =	simm.s32 $0x2  }
.LBB2_1:
0x14: {  	[dreg:$0x8] =	wrdreg s9  }
0x15: {  	s5 =	rddreg [dreg:$0x3];
	s29 =	simm.s32 $0x9  }
0x16: {  	[tilespmem:s2], [sflag:$0x9] =	stream.linear.gather [hbm4b:s5+s2], $0x6400, $0x38;
	[tilespmem:$0x1C800] =	vst v63  }
0x17: {  	_ =	swait.ge [sflag:s29], $0x6400  }
0x18: {  	[sflag:s29] =	ssyncset.done $0x0  }
0x19: {  	s22 =	simm.s32 $0x6400;
	s31 =	rddreg [dreg:$0x4];
	[sflag:s29] =	ssyncadd.s32 $0xFFFF9C00  }
0x1a: {  	[tilespmem:s22], [sflag:$0x9] =	stream.linear.gather [hbm4b:s31+s2], $0x6400, $0x38;
	[tilespmem:$0x1C800] =	vst v63  }
0x1b: {  	_ =	swait.ge [sflag:s29], $0x6400  }
0x1c: {  	[sflag:s29] =	ssyncset.done $0x0  }
0x1d: {  	s9 =	simm.s32 $0xC800;
	[sflag:s29] =	ssyncadd.s32 $0xFFFF9C00  }
0x1e: {  	[tilespmem:s9], [sflag:$0x1] =	stream.indirect.gather [hbm4b:s3+s24], $0x80, s2, s24, $0xb8;
	[tilespmem:$0x1C800] =	vst v63  }
0x1f: {  	s22 =	simm.s32 $0x10800  }
0x20: {  	[tilespmem:s22], [sflag:$0x2] =	stream.indirect.gather [hbm4b:s3+s24], $0x80, s24, s24, $0xb8;
	[tilespmem:$0x1C800] =	vst v63  }
0x21: {  	s25 =	simm.s32 $0x100;
	s26 =	simm.s32 $0x14800  }
0x22: {  	[tilespmem:s26], [sflag:$0x3] =	stream.indirect.gather [hbm4b:s3+s24], $0x80, s25, s24, $0xb8;
	[tilespmem:$0x1C800] =	vst v63  }
0x23: {  	s31 =	simm.s32 $0x18800;
	s29 =	simm.s32 $0x180;
	s22 =	simm.s32 $0x0  }
0x24: {  	[tilespmem:s31], [sflag:$0x4] =	stream.indirect.gather [hbm4b:s3+s24], $0x80, s29, s24, $0xb8;
	[tilespmem:$0x1C800] =	vst v63  }
.LBB2_2:
0x25: {  	s5 =	sshll.u32 s22, $0x10  }
0x26: {  	s5 =	sadd.s32 s10, s5  }
0x27: {  	_ =	swait.ge [sflag:s0], $0x4000;
	s26 =	simm.s32 $0xC800;
	s5 =	sshrl.u32 s5, $0x3  }
0x28: {  	s29 =	simm.s32 $0x10;
	[sflag:s0] =	ssyncset.done $0x0;
	s25 =	sadd.s32 s6, s5  }
0x29: {  	s31 =	simm.s32 $0xC880;
	[sflag:s0] =	ssyncadd.s32 $0xFFFFC000;
	s5 =	sadd.s32 $0x0, s25  }
.LBB2_3:
0x2a: {  	[hbm4b:s5+s2] =	stream.linear.scatter [tilespmem:s26], [sflag:$0x5], $0x20, $0x38;
	[tilespmem:$0x1C800] =	vst v63  }
0x2b: {  	s5 =	smov.u32 s29;
	s26 =	smov.u32 s31;
	p0 =	sne.s32 s29, $0x7F0  }
.Ltmp0:
0x2c: {  	s29 =	sadd.s32 $0x10, s29;
	(pc) =	sbr.rel @p0 .LBB2_3-.Ltmp0, $2  }
0x2d: {  	_ =	sdelay $0x2  }
0x2e: {  	s31 =	sadd.s32 $0x80, s31;
	s5 =	sadd.s32 s5, s25  }
0x2f: {  	[hbm4b:s5+s2] =	stream.linear.scatter [tilespmem:s26], [sflag:$0x5], $0x20, $0x38;
	[tilespmem:$0x1C800] =	vst v63  }
0x30: {  	s25 =	sshll.u32 s22, $0x9;
	s26 =	rddreg [dreg:$0x5]  }
0x31: {  	s5 =	sadd.s32 s25, s26  }
0x32: {  	s5 =	sshll.u32 s5, $0x4  }
0x33: {  	s29 =	simm.s32 $0x10800;
	_ =	swait.ge [sflag:s1], $0x4000;
	s5 =	sand.u32 $0x1FFFE800, s5  }
0x34: {  	s31 =	simm.s32 $0x10;
	[sflag:s1] =	ssyncset.done $0x0;
	s26 =	sadd.s32 s6, s5  }
0x35: {  	[sflag:s1] =	ssyncadd.s32 $0xFFFFC000;
	s5 =	simm.s32 $0x10880;
	s9 =	sadd.s32 $0x0, s26  }
.LBB2_5:
0x36: {  	[hbm4b:s9+s2] =	stream.linear.scatter [tilespmem:s29], [sflag:$0x6], $0x20, $0x38;
	[tilespmem:$0x1C800] =	vst v63  }
0x37: {  	s9 =	smov.u32 s31;
	s29 =	smov.u32 s5;
	p0 =	sne.s32 s31, $0x7F0  }
.Ltmp1:
0x38: {  	s31 =	sadd.s32 $0x10, s31;
	(pc) =	sbr.rel @p0 .LBB2_5-.Ltmp1, $2  }
0x39: {  	_ =	sdelay $0x2  }
0x3a: {  	s5 =	sadd.s32 $0x80, s5;
	s9 =	sadd.s32 s9, s26  }
0x3b: {  	[hbm4b:s9+s2] =	stream.linear.scatter [tilespmem:s29], [sflag:$0x6], $0x20, $0x38;
	[tilespmem:$0x1C800] =	vst v63  }
0x3c: {  	s5 =	rddreg [dreg:$0x6]  }
0x3d: {  	s5 =	sadd.s32 s25, s5  }
0x3e: {  	s5 =	sshll.u32 s5, $0x4  }
0x3f: {  	s29 =	simm.s32 $0x14800;
	_ =	swait.ge [sflag:s28], $0x4000;
	s5 =	sand.u32 $0x1FFFF000, s5  }
0x40: {  	s31 =	simm.s32 $0x10;
	[sflag:s28] =	ssyncset.done $0x0;
	s26 =	sadd.s32 s6, s5  }
0x41: {  	[sflag:s28] =	ssyncadd.s32 $0xFFFFC000;
	s5 =	simm.s32 $0x14880;
	s9 =	sadd.s32 $0x0, s26  }
.LBB2_7:
0x42: {  	[hbm4b:s9+s2] =	stream.linear.scatter [tilespmem:s29], [sflag:$0x7], $0x20, $0x38;
	[tilespmem:$0x1C800] =	vst v63  }
0x43: {  	s9 =	smov.u32 s31;
	s29 =	smov.u32 s5;
	p0 =	sne.s32 s31, $0x7F0  }
.Ltmp2:
0x44: {  	s31 =	sadd.s32 $0x10, s31;
	(pc) =	sbr.rel @p0 .LBB2_7-.Ltmp2, $2  }
0x45: {  	_ =	sdelay $0x2  }
0x46: {  	s5 =	sadd.s32 $0x80, s5;
	s9 =	sadd.s32 s9, s26  }
0x47: {  	[hbm4b:s9+s2] =	stream.linear.scatter [tilespmem:s29], [sflag:$0x7], $0x20, $0x38;
	[tilespmem:$0x1C800] =	vst v63  }
0x48: {  	s5 =	sadd.s32 s25, s11  }
0x49: {  	s5 =	sshll.u32 s5, $0x4  }
0x4a: {  	s29 =	simm.s32 $0x18800;
	_ =	swait.ge [sflag:s30], $0x4000;
	s5 =	sand.u32 $0x1FFFF800, s5  }
0x4b: {  	s31 =	simm.s32 $0x10;
	[sflag:s30] =	ssyncset.done $0x0;
	s26 =	sadd.s32 s6, s5  }
0x4c: {  	[sflag:s30] =	ssyncadd.s32 $0xFFFFC000;
	s5 =	simm.s32 $0x18880;
	s9 =	sadd.s32 $0x0, s26  }
.LBB2_9:
0x4d: {  	[hbm4b:s9+s2] =	stream.linear.scatter [tilespmem:s29], [sflag:$0x8], $0x20, $0x38;
	[tilespmem:$0x1C800] =	vst v63  }
0x4e: {  	s9 =	smov.u32 s31;
	s29 =	smov.u32 s5;
	p0 =	sne.s32 s31, $0x7F0  }
.Ltmp3:
0x4f: {  	s31 =	sadd.s32 $0x10, s31;
	(pc) =	sbr.rel @p0 .LBB2_9-.Ltmp3, $2  }
0x50: {  	_ =	sdelay $0x2  }
0x51: {  	s5 =	sadd.s32 $0x80, s5;
	s9 =	sadd.s32 s9, s26  }
0x52: {  	[hbm4b:s9+s2] =	stream.linear.scatter [tilespmem:s29], [sflag:$0x8], $0x20, $0x38;
	[tilespmem:$0x1C800] =	vst v63  }
0x53: {  	_ =	swait.ge [sflag:s7], $0x1000  }
0x54: {  	s5 =	sand.u32 $0x3FFFFE00, s25;
	[sflag:s7] =	ssyncset.done $0x0  }
0x55: {  	s26 =	simm.s32 $0xC800;
	s25 =	sadd.s32 $0x200, s5;
	[sflag:s7] =	ssyncadd.s32 $0xFFFFF000  }
0x56: {  	[tilespmem:s26], [sflag:$0x1] =	stream.indirect.gather [hbm4b:s3+s24], $0x80, s25, s24, $0xb8;
	[tilespmem:$0x1C800] =	vst v63  }
0x57: {  	_ =	swait.ge [sflag:s8], $0x1000  }
0x58: {  	[sflag:s8] =	ssyncset.done $0x0  }
0x59: {  	s31 =	simm.s32 $0x10800;
	s29 =	sadd.s32 $0x280, s5;
	[sflag:s8] =	ssyncadd.s32 $0xFFFFF000  }
0x5a: {  	[tilespmem:s31], [sflag:$0x2] =	stream.indirect.gather [hbm4b:s3+s24], $0x80, s29, s24, $0xb8;
	[tilespmem:$0x1C800] =	vst v63  }
0x5b: {  	s22 =	sadd.s32 $0x1, s22;
	_ =	swait.ge [sflag:s23], $0x1000  }
0x5c: {  	p0 =	sne.s32 s22, $0x31;
	[sflag:s23] =	ssyncset.done $0x0  }
0x5d: {  	s26 =	sadd.s32 $0x300, s5;
	s29 =	simm.s32 $0x14800;
	[sflag:s23] =	ssyncadd.s32 $0xFFFFF000  }
0x5e: {  	[tilespmem:s29], [sflag:$0x3] =	stream.indirect.gather [hbm4b:s3+s24], $0x80, s26, s24, $0xb8;
	[tilespmem:$0x1C800] =	vst v63  }
.Ltmp4:
0x5f: {  	_ = 	snop;
	(pc) =	sbr.rel @p0 .LBB2_2-.Ltmp4, $4  }
0x60: {  	_ =	swait.ge [sflag:s21], $0x1000  }
0x61: {  	[sflag:s21] =	ssyncset.done $0x0  }
0x62: {  	s5 =	sadd.s32 $0x380, s5;
	s31 =	simm.s32 $0x18800;
	[sflag:s21] =	ssyncadd.s32 $0xFFFFF000  }
0x63: {  	[tilespmem:s31], [sflag:$0x4] =	stream.indirect.gather [hbm4b:s3+s24], $0x80, s5, s24, $0xb8;
	[tilespmem:$0x1C800] =	vst v63  }
0x64: {  	_ =	swait.ge [sflag:s0], $0x4000  }
0x65: {  	s22 =	simm.s32 $0xC800;
	s25 =	simm.s32 $0x10;
	[sflag:s0] =	ssyncset.done $0x0  }
0x66: {  	s9 =	sadd.s32 $0x0, s12;
	s5 =	simm.s32 $0xC880;
	[sflag:s0] =	ssyncadd.s32 $0xFFFFC000  }
.LBB2_12:
0x67: {  	[hbm4b:s9+s2] =	stream.linear.scatter [tilespmem:s22], [sflag:$0x5], $0x20, $0x38;
	[tilespmem:$0x1C800] =	vst v63  }
0x68: {  	s9 =	smov.u32 s25;
	s22 =	smov.u32 s5;
	p0 =	sne.s32 s25, $0x7F0  }
.Ltmp5:
0x69: {  	s25 =	sadd.s32 $0x10, s25;
	(pc) =	sbr.rel @p0 .LBB2_12-.Ltmp5, $2  }
0x6a: {  	_ =	sdelay $0x2  }
0x6b: {  	s5 =	sadd.s32 $0x80, s5;
	s9 =	sadd.s32 s9, s12  }
0x6c: {  	[hbm4b:s9+s2] =	stream.linear.scatter [tilespmem:s22], [sflag:$0x5], $0x20, $0x38;
	[tilespmem:$0x1C800] =	vst v63  }
0x6d: {  	_ =	swait.ge [sflag:s1], $0x4000  }
0x6e: {  	s22 =	simm.s32 $0x10800;
	s25 =	simm.s32 $0x10;
	[sflag:s1] =	ssyncset.done $0x0  }
0x6f: {  	s9 =	sadd.s32 $0x0, s13;
	s5 =	simm.s32 $0x10880;
	[sflag:s1] =	ssyncadd.s32 $0xFFFFC000  }
.LBB2_14:
0x70: {  	[hbm4b:s9+s2] =	stream.linear.scatter [tilespmem:s22], [sflag:$0x6], $0x20, $0x38;
	[tilespmem:$0x1C800] =	vst v63  }
0x71: {  	s9 =	smov.u32 s25;
	s22 =	smov.u32 s5;
	p0 =	sne.s32 s25, $0x7F0  }
.Ltmp6:
0x72: {  	s25 =	sadd.s32 $0x10, s25;
	(pc) =	sbr.rel @p0 .LBB2_14-.Ltmp6, $2  }
0x73: {  	_ =	sdelay $0x2  }
0x74: {  	s5 =	sadd.s32 $0x80, s5;
	s9 =	sadd.s32 s9, s13  }
0x75: {  	[hbm4b:s9+s2] =	stream.linear.scatter [tilespmem:s22], [sflag:$0x6], $0x20, $0x38;
	[tilespmem:$0x1C800] =	vst v63  }
0x76: {  	_ =	swait.ge [sflag:s28], $0x4000  }
0x77: {  	s22 =	simm.s32 $0x14800;
	s25 =	simm.s32 $0x10;
	[sflag:s28] =	ssyncset.done $0x0  }
0x78: {  	s9 =	sadd.s32 $0x0, s14;
	s5 =	simm.s32 $0x14880;
	[sflag:s28] =	ssyncadd.s32 $0xFFFFC000  }
.LBB2_16:
0x79: {  	[hbm4b:s9+s2] =	stream.linear.scatter [tilespmem:s22], [sflag:$0x7], $0x20, $0x38;
	[tilespmem:$0x1C800] =	vst v63  }
0x7a: {  	s9 =	smov.u32 s25;
	s22 =	smov.u32 s5;
	p0 =	sne.s32 s25, $0x7F0  }
.Ltmp7:
0x7b: {  	s25 =	sadd.s32 $0x10, s25;
	(pc) =	sbr.rel @p0 .LBB2_16-.Ltmp7, $2  }
0x7c: {  	_ =	sdelay $0x2  }
0x7d: {  	s5 =	sadd.s32 $0x80, s5;
	s9 =	sadd.s32 s9, s14  }
0x7e: {  	[hbm4b:s9+s2] =	stream.linear.scatter [tilespmem:s22], [sflag:$0x7], $0x20, $0x38;
	[tilespmem:$0x1C800] =	vst v63  }
0x7f: {  	_ =	swait.ge [sflag:s30], $0x4000  }
0x80: {  	s22 =	simm.s32 $0x18800;
	s25 =	simm.s32 $0x10;
	[sflag:s30] =	ssyncset.done $0x0  }
0x81: {  	s9 =	sadd.s32 $0x0, s15;
	s5 =	simm.s32 $0x18880;
	[sflag:s30] =	ssyncadd.s32 $0xFFFFC000  }
.LBB2_18:
0x82: {  	[hbm4b:s9+s2] =	stream.linear.scatter [tilespmem:s22], [sflag:$0x8], $0x20, $0x38;
	[tilespmem:$0x1C800] =	vst v63  }
0x83: {  	s9 =	smov.u32 s25;
	s22 =	smov.u32 s5;
	p0 =	sne.s32 s25, $0x7F0  }
.Ltmp8:
0x84: {  	s25 =	sadd.s32 $0x10, s25;
	(pc) =	sbr.rel @p0 .LBB2_18-.Ltmp8, $2  }
0x85: {  	_ =	sdelay $0x2  }
0x86: {  	s5 =	sadd.s32 $0x80, s5;
	s9 =	sadd.s32 s9, s15  }
0x87: {  	[hbm4b:s9+s2] =	stream.linear.scatter [tilespmem:s22], [sflag:$0x8], $0x20, $0x38;
	[tilespmem:$0x1C800] =	vst v63  }
0x88: {  	_ =	swait.ge [sflag:s7], $0x1000  }
0x89: {  	[sflag:s7] =	ssyncset.done $0x0  }
0x8a: {  	[sflag:s7] =	ssyncadd.s32 $0xFFFFF000  }
0x8b: {  	_ =	swait.ge [sflag:s8], $0x1000  }
0x8c: {  	[sflag:s8] =	ssyncset.done $0x0  }
0x8d: {  	[sflag:s8] =	ssyncadd.s32 $0xFFFFF000  }
0x8e: {  	_ =	swait.ge [sflag:s23], $0x1000  }
0x8f: {  	[sflag:s23] =	ssyncset.done $0x0  }
0x90: {  	[sflag:s23] =	ssyncadd.s32 $0xFFFFF000  }
0x91: {  	_ =	swait.ge [sflag:s21], $0x1000  }
0x92: {  	[sflag:s21] =	ssyncset.done $0x0  }
0x93: {  	s5 =	simm.s32 $0x6400;
	s31 =	simm.s32 $0xC800;
	[sflag:s21] =	ssyncadd.s32 $0xFFFFF000  }
0x94: {  	[tilespmem:s31], [sflag:$0x1] =	stream.indirect.gather [hbm4b:s4+s24], $0x80, s5, s24, $0xb8;
	[tilespmem:$0x1C800] =	vst v63  }
0x95: {  	s9 =	simm.s32 $0x10800;
	s22 =	simm.s32 $0x6480  }
0x96: {  	[tilespmem:s9], [sflag:$0x2] =	stream.indirect.gather [hbm4b:s4+s24], $0x80, s22, s24, $0xb8;
	[tilespmem:$0x1C800] =	vst v63  }
0x97: {  	s25 =	simm.s32 $0x14800;
	s26 =	simm.s32 $0x6500  }
0x98: {  	[tilespmem:s25], [sflag:$0x3] =	stream.indirect.gather [hbm4b:s4+s24], $0x80, s26, s24, $0xb8;
	[tilespmem:$0x1C800] =	vst v63  }
0x99: {  	s29 =	simm.s32 $0x18800;
	s31 =	simm.s32 $0x6580;
	s22 =	simm.s32 $0x0  }
0x9a: {  	[tilespmem:s29], [sflag:$0x4] =	stream.indirect.gather [hbm4b:s4+s24], $0x80, s31, s24, $0xb8;
	[tilespmem:$0x1C800] =	vst v63  }
.LBB2_20:
0x9b: {  	s5 =	sshll.u32 s22, $0x10  }
0x9c: {  	s5 =	sadd.s32 s10, s5  }
0x9d: {  	_ =	swait.ge [sflag:s0], $0x4000;
	s26 =	simm.s32 $0xC800;
	s5 =	sshrl.u32 s5, $0x3  }
0x9e: {  	s29 =	simm.s32 $0x10;
	[sflag:s0] =	ssyncset.done $0x0;
	s25 =	sadd.s32 s5, s16  }
0x9f: {  	[sflag:s0] =	ssyncadd.s32 $0xFFFFC000;
	s5 =	simm.s32 $0xC880;
	s9 =	sadd.s32 $0x0, s25  }
.LBB2_21:
0xa0: {  	[hbm4b:s9+s2] =	stream.linear.scatter [tilespmem:s26], [sflag:$0x5], $0x20, $0x38;
	[tilespmem:$0x1C800] =	vst v63  }
0xa1: {  	s9 =	smov.u32 s29;
	s26 =	smov.u32 s5;
	p0 =	sne.s32 s29, $0x7F0  }
.Ltmp9:
0xa2: {  	s29 =	sadd.s32 $0x10, s29;
	(pc) =	sbr.rel @p0 .LBB2_21-.Ltmp9, $2  }
0xa3: {  	_ =	sdelay $0x2  }
0xa4: {  	s5 =	sadd.s32 $0x80, s5;
	s9 =	sadd.s32 s9, s25  }
0xa5: {  	[hbm4b:s9+s2] =	stream.linear.scatter [tilespmem:s26], [sflag:$0x5], $0x20, $0x38;
	[tilespmem:$0x1C800] =	vst v63  }
0xa6: {  	s25 =	sshll.u32 s22, $0x9;
	s5 =	rddreg [dreg:$0x5]  }
0xa7: {  	s5 =	sadd.s32 s25, s5  }
0xa8: {  	s5 =	sshll.u32 s5, $0x4  }
0xa9: {  	s29 =	simm.s32 $0x10800;
	_ =	swait.ge [sflag:s1], $0x4000;
	s5 =	sand.u32 $0x1FFFE800, s5  }
0xaa: {  	s31 =	simm.s32 $0x10;
	[sflag:s1] =	ssyncset.done $0x0;
	s26 =	sadd.s32 s5, s16  }
0xab: {  	[sflag:s1] =	ssyncadd.s32 $0xFFFFC000;
	s5 =	simm.s32 $0x10880;
	s9 =	sadd.s32 $0x0, s26  }
.LBB2_23:
0xac: {  	[hbm4b:s9+s2] =	stream.linear.scatter [tilespmem:s29], [sflag:$0x6], $0x20, $0x38;
	[tilespmem:$0x1C800] =	vst v63  }
0xad: {  	s9 =	smov.u32 s31;
	s29 =	smov.u32 s5;
	p0 =	sne.s32 s31, $0x7F0  }
.Ltmp10:
0xae: {  	s31 =	sadd.s32 $0x10, s31;
	(pc) =	sbr.rel @p0 .LBB2_23-.Ltmp10, $2  }
0xaf: {  	_ =	sdelay $0x2  }
0xb0: {  	s5 =	sadd.s32 $0x80, s5;
	s9 =	sadd.s32 s9, s26  }
0xb1: {  	[hbm4b:s9+s2] =	stream.linear.scatter [tilespmem:s29], [sflag:$0x6], $0x20, $0x38;
	[tilespmem:$0x1C800] =	vst v63  }
0xb2: {  	s5 =	rddreg [dreg:$0x6]  }
0xb3: {  	s5 =	sadd.s32 s25, s5  }
0xb4: {  	s5 =	sshll.u32 s5, $0x4  }
0xb5: {  	s29 =	simm.s32 $0x14800;
	_ =	swait.ge [sflag:s28], $0x4000;
	s5 =	sand.u32 $0x1FFFF000, s5  }
0xb6: {  	s31 =	simm.s32 $0x10;
	[sflag:s28] =	ssyncset.done $0x0;
	s26 =	sadd.s32 s5, s16  }
0xb7: {  	[sflag:s28] =	ssyncadd.s32 $0xFFFFC000;
	s5 =	simm.s32 $0x14880;
	s9 =	sadd.s32 $0x0, s26  }
.LBB2_25:
0xb8: {  	[hbm4b:s9+s2] =	stream.linear.scatter [tilespmem:s29], [sflag:$0x7], $0x20, $0x38;
	[tilespmem:$0x1C800] =	vst v63  }
0xb9: {  	s9 =	smov.u32 s31;
	s29 =	smov.u32 s5;
	p0 =	sne.s32 s31, $0x7F0  }
.Ltmp11:
0xba: {  	s31 =	sadd.s32 $0x10, s31;
	(pc) =	sbr.rel @p0 .LBB2_25-.Ltmp11, $2  }
0xbb: {  	_ =	sdelay $0x2  }
0xbc: {  	s5 =	sadd.s32 $0x80, s5;
	s9 =	sadd.s32 s9, s26  }
0xbd: {  	[hbm4b:s9+s2] =	stream.linear.scatter [tilespmem:s29], [sflag:$0x7], $0x20, $0x38;
	[tilespmem:$0x1C800] =	vst v63  }
0xbe: {  	s5 =	sadd.s32 s25, s11  }
0xbf: {  	s5 =	sshll.u32 s5, $0x4  }
0xc0: {  	s29 =	simm.s32 $0x18800;
	_ =	swait.ge [sflag:s30], $0x4000;
	s5 =	sand.u32 $0x1FFFF800, s5  }
0xc1: {  	s31 =	simm.s32 $0x10;
	[sflag:s30] =	ssyncset.done $0x0;
	s26 =	sadd.s32 s5, s16  }
0xc2: {  	[sflag:s30] =	ssyncadd.s32 $0xFFFFC000;
	s5 =	simm.s32 $0x18880;
	s9 =	sadd.s32 $0x0, s26  }
.LBB2_27:
0xc3: {  	[hbm4b:s9+s2] =	stream.linear.scatter [tilespmem:s29], [sflag:$0x8], $0x20, $0x38;
	[tilespmem:$0x1C800] =	vst v63  }
0xc4: {  	s9 =	smov.u32 s31;
	s29 =	smov.u32 s5;
	p0 =	sne.s32 s31, $0x7F0  }
.Ltmp12:
0xc5: {  	s31 =	sadd.s32 $0x10, s31;
	(pc) =	sbr.rel @p0 .LBB2_27-.Ltmp12, $2  }
0xc6: {  	_ =	sdelay $0x2  }
0xc7: {  	s5 =	sadd.s32 $0x80, s5;
	s9 =	sadd.s32 s9, s26  }
0xc8: {  	[hbm4b:s9+s2] =	stream.linear.scatter [tilespmem:s29], [sflag:$0x8], $0x20, $0x38;
	[tilespmem:$0x1C800] =	vst v63  }
0xc9: {  	_ =	swait.ge [sflag:s7], $0x1000  }
0xca: {  	s5 =	sand.u32 $0x3FFFFE00, s25;
	[sflag:s7] =	ssyncset.done $0x0  }
0xcb: {  	s26 =	simm.s32 $0xC800;
	s25 =	sadd.s32 $0x6600, s5;
	[sflag:s7] =	ssyncadd.s32 $0xFFFFF000  }
0xcc: {  	[tilespmem:s26], [sflag:$0x1] =	stream.indirect.gather [hbm4b:s4+s24], $0x80, s25, s24, $0xb8;
	[tilespmem:$0x1C800] =	vst v63  }
0xcd: {  	_ =	swait.ge [sflag:s8], $0x1000  }
0xce: {  	[sflag:s8] =	ssyncset.done $0x0  }
0xcf: {  	s31 =	simm.s32 $0x10800;
	s29 =	sadd.s32 $0x6680, s5;
	[sflag:s8] =	ssyncadd.s32 $0xFFFFF000  }
0xd0: {  	[tilespmem:s31], [sflag:$0x2] =	stream.indirect.gather [hbm4b:s4+s24], $0x80, s29, s24, $0xb8;
	[tilespmem:$0x1C800] =	vst v63  }
0xd1: {  	s22 =	sadd.s32 $0x1, s22;
	_ =	swait.ge [sflag:s23], $0x1000  }
0xd2: {  	p0 =	sne.s32 s22, $0x31;
	[sflag:s23] =	ssyncset.done $0x0  }
0xd3: {  	s26 =	sadd.s32 $0x6700, s5;
	s29 =	simm.s32 $0x14800;
	[sflag:s23] =	ssyncadd.s32 $0xFFFFF000  }
0xd4: {  	[tilespmem:s29], [sflag:$0x3] =	stream.indirect.gather [hbm4b:s4+s24], $0x80, s26, s24, $0xb8;
	[tilespmem:$0x1C800] =	vst v63  }
.Ltmp13:
0xd5: {  	_ = 	snop;
	(pc) =	sbr.rel @p0 .LBB2_20-.Ltmp13, $4  }
0xd6: {  	_ =	swait.ge [sflag:s21], $0x1000  }
0xd7: {  	[sflag:s21] =	ssyncset.done $0x0  }
0xd8: {  	s5 =	sadd.s32 $0x6780, s5;
	s31 =	simm.s32 $0x18800;
	[sflag:s21] =	ssyncadd.s32 $0xFFFFF000  }
0xd9: {  	[tilespmem:s31], [sflag:$0x4] =	stream.indirect.gather [hbm4b:s4+s24], $0x80, s5, s24, $0xb8;
	[tilespmem:$0x1C800] =	vst v63  }
0xda: {  	_ =	swait.ge [sflag:s0], $0x4000  }
0xdb: {  	s22 =	simm.s32 $0xC800;
	s25 =	simm.s32 $0x10;
	[sflag:s0] =	ssyncset.done $0x0  }
0xdc: {  	s9 =	sadd.s32 $0x0, s17;
	s5 =	simm.s32 $0xC880;
	[sflag:s0] =	ssyncadd.s32 $0xFFFFC000  }
.LBB2_30:
0xdd: {  	[hbm4b:s9+s2] =	stream.linear.scatter [tilespmem:s22], [sflag:$0x5], $0x20, $0x38;
	[tilespmem:$0x1C800] =	vst v63  }
0xde: {  	s9 =	smov.u32 s25;
	s22 =	smov.u32 s5;
	p0 =	sne.s32 s25, $0x7F0  }
.Ltmp14:
0xdf: {  	s25 =	sadd.s32 $0x10, s25;
	(pc) =	sbr.rel @p0 .LBB2_30-.Ltmp14, $2  }
0xe0: {  	_ =	sdelay $0x2  }
0xe1: {  	s5 =	sadd.s32 $0x80, s5;
	s9 =	sadd.s32 s9, s17  }
0xe2: {  	[hbm4b:s9+s2] =	stream.linear.scatter [tilespmem:s22], [sflag:$0x5], $0x20, $0x38;
	[tilespmem:$0x1C800] =	vst v63  }
0xe3: {  	_ =	swait.ge [sflag:s1], $0x4000  }
0xe4: {  	s22 =	simm.s32 $0x10800;
	s25 =	simm.s32 $0x10;
	[sflag:s1] =	ssyncset.done $0x0  }
0xe5: {  	s9 =	sadd.s32 $0x0, s18;
	s5 =	simm.s32 $0x10880;
	[sflag:s1] =	ssyncadd.s32 $0xFFFFC000  }
.LBB2_32:
0xe6: {  	[hbm4b:s9+s2] =	stream.linear.scatter [tilespmem:s22], [sflag:$0x6], $0x20, $0x38;
	[tilespmem:$0x1C800] =	vst v63  }
0xe7: {  	s9 =	smov.u32 s25;
	s22 =	smov.u32 s5;
	p0 =	sne.s32 s25, $0x7F0  }
.Ltmp15:
0xe8: {  	s25 =	sadd.s32 $0x10, s25;
	(pc) =	sbr.rel @p0 .LBB2_32-.Ltmp15, $2  }
0xe9: {  	_ =	sdelay $0x2  }
0xea: {  	s5 =	sadd.s32 $0x80, s5;
	s9 =	sadd.s32 s9, s18  }
0xeb: {  	[hbm4b:s9+s2] =	stream.linear.scatter [tilespmem:s22], [sflag:$0x6], $0x20, $0x38;
	[tilespmem:$0x1C800] =	vst v63  }
0xec: {  	_ =	swait.ge [sflag:s28], $0x4000  }
0xed: {  	s22 =	simm.s32 $0x14800;
	s25 =	simm.s32 $0x10;
	[sflag:s28] =	ssyncset.done $0x0  }
0xee: {  	s9 =	sadd.s32 $0x0, s19;
	s5 =	simm.s32 $0x14880;
	[sflag:s28] =	ssyncadd.s32 $0xFFFFC000  }
.LBB2_34:
0xef: {  	[hbm4b:s9+s2] =	stream.linear.scatter [tilespmem:s22], [sflag:$0x7], $0x20, $0x38;
	[tilespmem:$0x1C800] =	vst v63  }
0xf0: {  	s9 =	smov.u32 s25;
	s22 =	smov.u32 s5;
	p0 =	sne.s32 s25, $0x7F0  }
.Ltmp16:
0xf1: {  	s25 =	sadd.s32 $0x10, s25;
	(pc) =	sbr.rel @p0 .LBB2_34-.Ltmp16, $2  }
0xf2: {  	_ =	sdelay $0x2  }
0xf3: {  	s5 =	sadd.s32 $0x80, s5;
	s9 =	sadd.s32 s9, s19  }
0xf4: {  	[hbm4b:s9+s2] =	stream.linear.scatter [tilespmem:s22], [sflag:$0x7], $0x20, $0x38;
	[tilespmem:$0x1C800] =	vst v63  }
0xf5: {  	_ =	swait.ge [sflag:s30], $0x4000  }
0xf6: {  	s22 =	simm.s32 $0x18800;
	s25 =	simm.s32 $0x10;
	[sflag:s30] =	ssyncset.done $0x0  }
0xf7: {  	s9 =	sadd.s32 $0x0, s20;
	s5 =	simm.s32 $0x18880;
	[sflag:s30] =	ssyncadd.s32 $0xFFFFC000  }
.LBB2_36:
0xf8: {  	[hbm4b:s9+s2] =	stream.linear.scatter [tilespmem:s22], [sflag:$0x8], $0x20, $0x38;
	[tilespmem:$0x1C800] =	vst v63  }
0xf9: {  	s9 =	smov.u32 s25;
	s22 =	smov.u32 s5;
	p0 =	sne.s32 s25, $0x7F0  }
.Ltmp17:
0xfa: {  	s25 =	sadd.s32 $0x10, s25;
	(pc) =	sbr.rel @p0 .LBB2_36-.Ltmp17, $2  }
0xfb: {  	_ =	sdelay $0x2  }
0xfc: {  	s5 =	sadd.s32 $0x80, s5;
	s9 =	sadd.s32 s9, s20  }
0xfd: {  	[hbm4b:s9+s2] =	stream.linear.scatter [tilespmem:s22], [sflag:$0x8], $0x20, $0x38;
	[tilespmem:$0x1C800] =	vst v63  }
0xfe: {  	_ =	swait.ge [sflag:s7], $0x1000  }
0xff: {  	[sflag:s7] =	ssyncset.done $0x0  }
0x100: {  	[sflag:s7] =	ssyncadd.s32 $0xFFFFF000  }
0x101: {  	_ =	swait.ge [sflag:s8], $0x1000  }
0x102: {  	[sflag:s8] =	ssyncset.done $0x0  }
0x103: {  	[sflag:s8] =	ssyncadd.s32 $0xFFFFF000  }
0x104: {  	_ =	swait.ge [sflag:s23], $0x1000  }
0x105: {  	[sflag:s23] =	ssyncset.done $0x0  }
0x106: {  	[sflag:s23] =	ssyncadd.s32 $0xFFFFF000  }
0x107: {  	_ =	swait.ge [sflag:s21], $0x1000  }
0x108: {  	s31 =	rddreg [dreg:$0x8]  }
0x109: {  	s5 =	rddreg [dreg:$0x7];
	s9 =	sadd.s32 $0x1, s31  }
0x10a: {  	p0 =	sne.s32 s9, s5  }
.Ltmp18:
0x10b: {  	_ = 	snop;
	(pc) =	sbr.rel @p0 .LBB2_1-.Ltmp18, $3  }
0x10c: {  	_ =	sdelay $0x1  }
0x10d: {  	[sflag:s21] =	ssyncset.done $0x0  }
0x10e: {  	[sflag:s21] =	ssyncadd.s32 $0xFFFFF000  }
0x10f: {  	_ =	sfence.sel $0x180000  }
0x110: {  	[bflag:$0x0] =	sbarrier.arrive $0xFFFF  }
0x111: {  	_ =	strace $0x90000047  }
0x112: {  	s0 =	stileid.u32;
	[bflag:$0x2] =	sbarrier.arrive $0xFFFF  }
0x113: {  	p0 =	sne.s32 s0, $0x0;
	s0 =	rddreg [dreg:$0x2]  }
0x114: {  	s0 =	sadd.s32 @!p0 $0x100000, s0  }
0x115: {  	[sflag:s0] =	ssyncadd.tile.s32 @!p0 $0x1;
	_ =	shalt  }
.Lfunc_end2:
_tile_overlayer_lowered:
.L_overlay_start_2:
0x116: {  	(tag) =	ssettag $0x2  }
0x117: {  	s0 =	rddreg [dreg:$0x0];
	s2 =	stileid.u32  }
0x118: {  	s1 =	rddreg [dreg:$0x1];
	p0 =	sne.s32 s2, $0x0  }
0x119: {  	s3 =	rddreg [dreg:$0x2];
	[bflag:$0x3] =	sbarrier.arrive $0xFFFF;
	s2 =	simm.s32 @!p0 $0x1C09  }
0x11a: {  	[timem:s3], [sflag:s2] =	dma.local @!p0 [hbm:s0], s1  }
0x11b: {  	s0 =	simm.s32 @!p0 $0x9  }
0x11c: {  	_ =	swait.ge @!p0 [sflag:s0], s1  }
0x11d: {  	s1 =	ssub.s32 @!p0 $0x0, s1;
	[sflag:s0] =	ssyncset.done @!p0 $0x0  }
0x11e: {  	[sflag:s0] =	ssyncadd.s32 @!p0 s1  }
0x11f: {  	[bflag:$0x3] =	sbarrier.arrive $0xFFFF  }
0x120: {  	_ =	shalt  }

// kernel: sparse-core-data-format-call.cloned.1.call-start
scs
called_computation_lowered:
.L_overlay_start_0:
0x0: {  	s2 =	sld [smem:$0x3FD9]  }
0x1: {  	s3 =	sld [smem:$0x3FFE];
	_ =	sdelay $0x1  }
0x2: {  	s1 =	srdreg.scid  }
0x3: {  	s0 =	sand.u32 $0x1, s1  }
0x4: {  	s15 =	sshll.u32 s0, $0xA;
	s2 =	sadd.s32 s3, s2  }
0x5: {  	s2 =	sadd.s32 s2, s15  }
0x6: {  	[smem:$0x3FC5] =	sst s2  }
0x7: {  	_ = 	snop  }
0x8: {  	s2 =	sld [smem:$0x3FD0];
	_ =	sdelay $0x2  }
0x9: {  	s16 =	simm.s32 $0xA;
	s4 =	simm.s32 $0x10  }
0xa: {  	[smem:s4], [sflag:s16] =	dma.local [hbm:s2], $0x1  }
0xb: {  	_ =	swait.eq [sflag:s16], $0x1  }
0xc: {  	[sflag:s16] =	ssyncset.done $0x0  }
0xd: {  	[sflag:s16] =	ssyncadd.s32 $0xFFFFFFFF  }
0xe: {  	s17 =	sld [smem:$0x10];
	(tm) =	ssettm $0x1  }
0xf: {  	s18 =	sld [smem:$0x3FFB];
	_ =	sdelay $0x3  }
0x10: {  	_ =	strace s18  }
0x11: {  	s3 =	sld [smem:$0x3FFC];
	_ =	sdelay $0x3  }
0x12: {  	_ =	strace s3  }
0x13: {  	s3 =	sld [smem:$0x3FFD];
	_ =	sdelay $0x3  }
0x14: {  	_ =	strace s3  }
0x15: {  	_ =	strace $0x8FFFFFFF  }
0x16: {  	s19 =	sld [smem:$0x3FDB];
	_ =	sdelay $0x1  }
0x17: {  	s20 =	simm.s32 $_scs_section_size  }
0x18: {  	s5 =	simm.s32 $_size__tile_overlayer_lowered;
	s6 =	simm.s32 $_tile_overlayer_lowered  }
0x19: {  	s23 =	simm.s32 $0x1BFF;
	s22 =	sshll.u32 s6, $0x1;
	s3 =	sadd.s32 s20, s19  }
0x1a: {  	s7 =	simm.s32 $0x0;
	s21 =	sshll.u32 s5, $0x1;
	s5 =	sadd.s32 s22, s3  }
0x1b: {  	[timem:s7], [sflag:s23] =	dma.local [hbm:s5], s21  }
0x1c: {  	_ =	swait.ge [sflag:s23], s21  }
0x1d: {  	s4 =	ssub.s32 $0x0, s21;
	[sflag:s23] =	ssyncset.done $0x0  }
0x1e: {  	[sflag:s23] =	ssyncadd.s32 s4;
	_ =	sdelay $0x1  }
0x1f: {  	s24 =	simm.s32 $0x1B8B  }
0x20: {  	_ =	swait.ge [sflag:s24], $0x1  }
0x21: {  	[sflag:s24] =	ssyncset.done $0x0  }
0x22: {  	s26 =	simm.s32 $0x1B8E;
	s25 =	sld [smem:$0x3FFE];
	[sflag:s24] =	ssyncadd.s32 $0xFFFFFFFF  }
0x23: {  	s27 =	simm.s32 $execute0_lowered;
	[smem:$0x3FD2] =	sst s26  }
0x24: {  	s5 =	sshll.u32 s27, $0x1;
	_ =	strace $0x80000049;
	[dreg:$0x1] =	wrdreg $0xFFFFFFFF  }
0x25: {  	s28 =	simm.s32 $_size_execute0_lowered;
	s3 =	sadd.s32 s3, s5;
	[dreg:$0x0] =	wrdreg $0x0  }
0x26: {  	s5 =	sshll.u32 s28, $0x1;
	[dreg:$0x2] =	wrdreg s3  }
0x27: {  	[dreg:$0x3] =	wrdreg s5  }
0x28: {  	[dreg:$0x4] =	wrdreg $0xC0  }
0x29: {  	_ =	task [dreg:s7], $0x5FFFF  }
0x2a: {  	[dreg:$0x1] =	wrdreg $0xFFFFFFFF  }
0x2b: {  	[dreg:$0x0] =	wrdreg $0x60  }
0x2c: {  	[dreg:$0x2] =	wrdreg s25  }
0x2d: {  	[dreg:$0x3] =	wrdreg s17  }
0x2e: {  	[dreg:$0x4] =	wrdreg $0x9  }
0x2f: {  	_ =	task.clear_ibuf [dreg:s7], $0x5FFFF;
	_ =	strace $0x90000049  }
0x30: {  	s29 =	simm.s32 $0x9;
	_ =	strace $0x8000004B  }
0x31: {  	_ =	swait.ge [sflag:s29], $0x1  }
0x32: {  	[sflag:s29] =	ssyncadd.s32 $0xFFFFFFFF  }
0x33: {  	_ =	strace $0x9000004B  }
0x34: {  	_ =	sfence  }
0x35: {  	s30 =	sld [smem:$0x0];
	_ =	sdelay $0x2  }
0x36: {  	s31 =	sshll.u32 s1, $0xD;
	s1 =	sshrl.u32 s1, $0x2  }
0x37: {  	s3 =	sand.u32 $0x4000, s31;
	s1 =	sadd.s32 s1, s30  }
0x38: {  	s0 =	sor.u32 s3, s0;
	s1 =	sshll.u32 s1, $0x11  }
0x39: {  	s0 =	sor.u32 s1, s0  }
0x3a: {  	s0 =	sadd.s32 $0x8F2B, s0  }
0x3b: {  	[sflag:s0] =	ssyncadd.remote.s32 $0x1  }
0x3c: {  	_ =	sfence.sel $0xFFFF  }
0x3d: {  	[dreg:$0x0] =	wrdreg $0xFFFFFFFF;
	(pc) =	sbr.abs _section_cstart, $3  }
0x3e: {  	[dreg:$0x1] =	wrdreg $0xFFFFFFFF  }
0x3f: {  	_ =	task.clear_ibuf [dreg:s7], $0x2FFFF;
	_ =	strace $0x9FFFFFFF  }
0x40: {  	(tm) =	ssettm $0x7FFFFFFF  }
0x41: {  	_ =	shalt  }
tec
execute0_lowered:
.L_overlay_start_1:
0x0: {  	(tag) =	ssettag $0x1  }
0x1: {  	s0 =	srdreg.scid  }
0x2: {  	s1 =	sshll.u32 s0, $0x4  }
0x3: {  	s0 =	stileid.u32;
	s1 =	sand.u32 $0x10, s1  }
0x4: {  	s1 =	sor.u32 s0, s1  }
0x5: {  	s6 =	rddreg [dreg:$0x0];
	s4 =	simm.s32 $0x1;
	s2 =	sshll.u32 s1, $0x7  }
0x6: {  	s7 =	simm.s32 $0x2;
	s12 =	simm.s32 $0x0;
	s1 =	ssub.s32 $0x1000, s2  }
0x7: {  	s8 =	simm.s32 $0x8000;
	s13 =	simm.s32 $0x0;
	s3 =	sand.u32 $0xF80, s1  }
0x8: {  	s9 =	simm.s32 $0x0;
	s5 =	sshrl.u32 s1, $0xC;
	p0 =	sne.s32 s3, $0x0  }
.Ltmp0:
0x9: {  	s1 =	rddreg [dreg:$0x2];
	s4 =	simm.s32 @!p0 $0x0;
	(pc) =	sbr.rel .LBB1_1-.Ltmp0, $4  }
0xa: {  	s11 =	simm.s32 $0x0;
	s3 =	rddreg [dreg:$0x1];
	s5 =	sadd.s32 s4, s5  }
0xb: {  	_ =	strace $0x8000004A;
	s4 =	simm.s32 $0x1;
	s5 =	smul.u32 $0xC8, s5  }
0xc: {  	s6 =	sadd.s32 $0x1E9E600, s6;
	s10 =	smov.u32 s2;
	[sflag:s4] =	ssyncpa.u1 $0x0  }
0xd: {  	p0 =	por $0x0, $0x0;
	[sflag:s7] =	ssyncpa.u1 $0x0;
	s7 =	sor.u32 $0x1, s5  }
.LBB1_4:
0xe: {  	s16 =	sshll.u32 s13, $0x3;
	s17 =	sand.u32 $0x78, s13  }
0xf: {  	s30 =	sand.u32 $0x7E00, s13;
	s12 =	sshll.u32 s12, $0xF;
	s16 =	sand.u32 $0xC00, s16  }
0x10: {  	[tilespmem:s15+$0x810 ss:$0x81] =	vst.msk $0xffff, v2;
	s31 =	sand.u32 $0x7, s13;
	s16 =	sor.u32 s17, s16;
	s17 =	sadd.s32 s3, s30  }
0x11: {  	[tilespmem:s15+$0x1020 ss:$0x81] =	vst.msk $0xffff, v0;
	s13 =	sshll.u32 s31, $0x12;
	s12 =	sadd.s32 s12, s17;
	s16 =	sshrl.u32 s16, $0x3  }
0x12: {  	[tilespmem:s15+$0x0 ss:$0x81] =	vst.msk $0xffff, v1;
	s13 =	sor.u32 $0x400, s13;
	s12 =	sadd.s32 s16, s12  }
0x13: {  	[hbm4b:s12+s13] =	stream.strided.scatter [tilespmem:s14], [sflag:$0x2], $0x2000, s8, s13, $0x20;
	[tilespmem:$0x8080] =	vst v63  }
.LBB1_5:
0x14: {  	s14 =	sadd.s32 $0x1, s9  }
0x15: {  	s12 =	sadd.s32 $0x1000, s10;
	s16 =	smov.u32 s10;
	p2 =	sgt.s32 s14, $0xC7  }
0x16: {  	s16 =	smov.u32 @p2 s12  }
0x17: {  	s14 =	simm.s32 @p2 $0x0;
	p2 =	sgt.s32 s16, $0xFFF  }
0x18: {  	s16 =	smov.u32 @p2 s2;
	p2 =	sne.s32 s11, s7  }
.Ltmp1:
0x19: {  	p1 =	slt.u32 s11, $0x2;
	(pc) =	sbr.rel @!p2 .LBB1_6-.Ltmp1, $4  }
0x1a: {  	s15 =	simm.s32 @!p1 $0x2  }
0x1b: {  	s13 =	smov.u32 s10;
	p0 =	por !p0, !p0;
	_ =	swait.ge @!p1 [sflag:s15], $0x2000  }
0x1c: {  	s12 =	smov.u32 s9;
	[sflag:s15] =	ssyncset.done @!p1 $0x0;
	s9 =	smov.u32 s14  }
0x1d: {  	s11 =	sadd.s32 $0x1, s11;
	[sflag:s15] =	ssyncadd.s32 @!p1 $0xFFFFE000;
	s10 =	smov.u32 s16  }
.LBB1_1:
0x1e: {  	p1 =	sge.u32 s11, s5  }
0x1f: {  	s14 =	sand.u32 @!p1 $0x1FFFFFF, s9  }
0x20: {  	s15 =	smulhi.u32 @!p1 $0x147AE15, s14;
	_ =	sdelay $0x1  }
0x21: {  	s15 =	smul.u32 @!p1 $0xC8, s15  }
0x22: {  	s16 =	sxor.u32 @!p1 $0xFFFFFFFF, s11;
	s17 =	smul.u32 @!p1 $0xC80, s10  }
0x23: {  	s31 =	sadd.s32 $0xFFFFFFFF, s11;
	s16 =	sshll.u32 @!p1 s16, $0xD;
	s14 =	ssub.s32 @!p1 s14, s15  }
0x24: {  	s15 =	sand.u32 @!p1 $0x2000, s16;
	s16 =	sadd.s32 @!p1 s6, s17;
	s14 =	sshll.u32 @!p1 s14, $0x4  }
0x25: {  	s17 =	simm.s32 @!p1 $0x6400;
	s14 =	sadd.s32 @!p1 s14, s16;
	s16 =	simm.s32 @!p1 $0x40  }
0x26: {  	[tilespmem:s15], [sflag:$0x1] =	stream.strided.gather @!p1 [hbm4b:s14+s16], $0x2000, s17, s16, $0x38;
	[tilespmem:$0x8080] =	vst v63  }
0x27: {  	p1 =	sge.u32 s31, s5  }
.Ltmp2:
0x28: {  	_ = 	snop;
	(pc) =	sbr.rel @p1 .LBB1_5-.Ltmp2, $1  }
0x29: {  	_ =	sdelay $0x3  }
0x2a: {  	s14 =	simm.s32 $0x1  }
0x2b: {  	_ =	swait.ge [sflag:s4], $0x2000;
	s14 =	simm.s32 @!p0 $0x0  }
0x2c: {  	[sflag:s4] =	ssyncset.done $0x0;
	s15 =	sshll.u32 s14, $0xD  }
0x2d: {  	[sflag:s4] =	ssyncadd.s32 $0xFFFFE000;
	s18 =	sor.u32 $0x20, s15  }
0x2e: {  	s14 =	smul.u32 $0x8100, s14;
	v3 =	vld [tilespmem:s18+$0x10]  }
0x2f: {  	s30 =	sand.u32 $0x1, s11;
	v2 =	vld [tilespmem:s18+$0xFFFFFFF0]  }
0x30: {  	s15 =	smul.u32 $0x8100, s30;
	s14 =	sshrl.u32 s14, $0x2;
	v0 =	vld [tilespmem:s18+$0x0]  }
0x31: {  	v1 =	vld [tilespmem:s18+$0xFFFFFFE0];
	s16 =	sor.u32 $0x4000, s14  }
0x32: {  	s31 =	sshrl.u32 s15, $0x2;
	s15 =	sadd.s32 $0x0, s16  }
0x33: {  	s17 =	simm.s32 $0x4;
	s18 =	sadd.s32 $0x40, s18;
	s14 =	sor.u32 $0x4000, s31;
	[tilespmem:s15+$0x1830 ss:$0x81] =	vst.msk $0xffff, v3  }
.LBB1_3:
0x34: {  	v3 =	vld [tilespmem:s18+$0x10];
	p1 =	sne.s32 s17, $0x1FC;
	[tilespmem:s15+$0x810 ss:$0x81] =	vst.msk $0xffff, v2;
	s19 =	smov.u32 s17;
	s17 =	sadd.s32 $0x4, s17  }
.Ltmp3:
0x35: {  	v2 =	vld [tilespmem:s18+$0xFFFFFFF0];
	[tilespmem:s15+$0x1020 ss:$0x81] =	vst.msk $0xffff, v0;
	(pc) =	sbr.rel @p1 .LBB1_3-.Ltmp3, $4  }
0x36: {  	v0 =	vld [tilespmem:s18+$0x0];
	[tilespmem:s15+$0x0 ss:$0x81] =	vst.msk $0xffff, v1  }
0x37: {  	s15 =	sshra.s32 s19, $0x2;
	v1 =	vld [tilespmem:s18+$0xFFFFFFE0]  }
0x38: {  	s15 =	sadd.s32 s15, s16  }
0x39: {  	s18 =	sadd.s32 $0x40, s18;
	[tilespmem:s15+$0x1830 ss:$0x81] =	vst.msk $0xffff, v3  }
.Ltmp4:
0x3a: {  	_ = 	snop;
	(pc) =	sbr.rel .LBB1_4-.Ltmp4, $1  }
0x3b: {  	_ =	sdelay $0x3  }
.LBB1_6:
0x3c: {  	_ =	sfence.sel $0x180000  }
0x3d: {  	s2 =	simm.s32 $0x1;
	[bflag:$0x0] =	sbarrier.arrive $0xFFFF  }
0x3e: {  	s31 =	simm.s32 $0x2;
	[sflag:s2] =	ssyncpa.u1 $0x1  }
0x3f: {  	[sflag:s31] =	ssyncpa.u1 $0x1  }
0x40: {  	p0 =	sne.s32 s0, $0x0;
	_ =	strace $0x9000004A  }
0x41: {  	s0 =	sadd.s32 @!p0 $0x100000, s1;
	[bflag:$0x2] =	sbarrier.arrive $0xFFFF  }
0x42: {  	[sflag:s0] =	ssyncadd.tile.s32 @!p0 $0x1;
	_ =	shalt  }
.Lfunc_end1:
_tile_overlayer_lowered:
.L_overlay_start_2:
0x43: {  	(tag) =	ssettag $0x2  }
0x44: {  	s0 =	rddreg [dreg:$0x0];
	s2 =	stileid.u32  }
0x45: {  	s1 =	rddreg [dreg:$0x1];
	p0 =	sne.s32 s2, $0x0  }
0x46: {  	s3 =	rddreg [dreg:$0x2];
	[bflag:$0x3] =	sbarrier.arrive $0xFFFF;
	s2 =	simm.s32 @!p0 $0x1C01  }
0x47: {  	[timem:s3], [sflag:s2] =	dma.local @!p0 [hbm:s0], s1  }
0x48: {  	s0 =	simm.s32 @!p0 $0x1  }
0x49: {  	_ =	swait.ge @!p0 [sflag:s0], s1  }
0x4a: {  	s1 =	ssub.s32 @!p0 $0x0, s1;
	[sflag:s0] =	ssyncset.done @!p0 $0x0  }
0x4b: {  	[sflag:s0] =	ssyncadd.s32 @!p0 s1  }
0x4c: {  	[bflag:$0x3] =	sbarrier.arrive $0xFFFF  }
0x4d: {  	_ =	shalt  }

</sc_bundles>
